<compile_context>
chip_gen: v7x
topology: tpu7x:2x2x1
jax: 0.10.2.dev20260603
libtpu: 0.0.44.dev20260713+nightly
codegen_flags: <defaults>
</compile_context>

<pallas_src>
import functools

import jax
import jax.numpy as jnp
from jax import lax
from jax.experimental import pallas as pl
from jax.experimental.pallas import tpu as pltpu
from jax.experimental.pallas import tpu_sc as plsc

T, D, E, H = 2048, 768, 64, 512
BT = 128
NB = T // BT
NT = NB + E - 1
ML = 128
NW = 32
R = T // NW
DX = D + 128
NBUF = 4


def _router_body(x_ref, wg_ref, b_ref, xw_ref, p_ref, bt_ref, lo_ref,
                 hi_ref, f_ref, ne_ref, eu_ref, sz_ref):
    x = x_ref[...]
    gates = lax.dot_general(x, wg_ref[...], (((1,), (1,)), ((), ())),
                            preferred_element_type=jnp.float32)
    scores = jax.nn.sigmoid(gates)
    biased = scores + b_ref[...]
    m = jnp.max(biased, axis=1, keepdims=True)
    iota_e = lax.broadcasted_iota(jnp.int32, (T, E), 1)
    e_tok = jnp.min(jnp.where(biased >= m, iota_e, E), axis=1,
                    keepdims=True)
    sel = iota_e == e_tok
    w_tok = jnp.sum(jnp.where(sel, scores, 0.0), axis=1, keepdims=True)
    xw_ref[:, :D] = x
    xw_ref[:, D:] = jnp.broadcast_to(w_tok, (T, DX - D))

    oh = sel.astype(jnp.bfloat16)
    lt_t = (lax.broadcasted_iota(jnp.int32, (T, T), 0) >
            lax.broadcasted_iota(jnp.int32, (T, T), 1)).astype(jnp.bfloat16)
    excl = lax.dot_general(lt_t, oh, (((1,), (0,)), ((), ())),
                           preferred_element_type=jnp.float32)
    counts = jnp.sum(sel.astype(jnp.float32), axis=0, keepdims=True)
    lt_e = (lax.broadcasted_iota(jnp.int32, (E, E), 0) <
            lax.broadcasted_iota(jnp.int32, (E, E), 1)).astype(jnp.float32)
    offs = lax.dot_general(counts, lt_e, (((1,), (0,)), ((), ())),
                           preferred_element_type=jnp.float32,
                           precision=lax.Precision.HIGHEST)
    p = jnp.sum(jnp.where(sel, excl + offs, 0.0), axis=1, keepdims=True)
    p_ref[...] = p.astype(jnp.int32)

    start = offs
    end = offs + counts
    nonempty = counts > 0.0
    fb = jnp.floor(start * (1.0 / BT))
    lb = jnp.floor((end - 1.0) * (1.0 / BT))
    nbl = jnp.where(nonempty, lb - fb + 1.0, 0.0)
    tstart = lax.dot_general(nbl, lt_e, (((1,), (0,)), ((), ())),
                             preferred_element_type=jnp.float32,
                             precision=lax.Precision.HIGHEST)
    cend = tstart + nbl
    total = tstart[0, E - 1] + nbl[0, E - 1]

    i_col = lax.broadcasted_iota(jnp.int32, (ML, 1), 0).astype(jnp.float32)
    i_eff = jnp.minimum(i_col, total - 1.0)
    owner = jnp.sum((cend <= i_eff).astype(jnp.float32), axis=1,
                    keepdims=True)
    oh_t = (lax.broadcasted_iota(jnp.int32, (ML, E), 1)
            .astype(jnp.float32) == owner)

    def pick(v):
        return jnp.sum(jnp.where(oh_t, v, 0.0), axis=1, keepdims=True)

    st_o = pick(start)
    en_o = pick(end)
    b_t = pick(fb) + (i_eff - pick(tstart))
    blo = b_t * BT
    lo = jnp.maximum(st_o, blo) - blo
    hi = jnp.minimum(en_o, blo + BT) - blo
    valid = i_col < total
    lo = jnp.where(valid, lo, 0.0)
    hi = jnp.where(valid, hi, 0.0)
    bt_ref[...] = b_t.astype(jnp.int32)
    lo_ref[...] = lo.astype(jnp.int32)
    hi_ref[...] = hi.astype(jnp.int32)

    used = nonempty.astype(jnp.float32)
    le_e = (lax.broadcasted_iota(jnp.int32, (E, E), 0) <=
            lax.broadcasted_iota(jnp.int32, (E, E), 1)).astype(jnp.float32)
    ucum = lax.dot_general(used, le_e, (((1,), (0,)), ((), ())),
                           preferred_element_type=jnp.float32,
                           precision=lax.Precision.HIGHEST)
    f_ref[...] = (pick(ucum) - 1.0).astype(jnp.int32)
    newe = (i_col == pick(tstart)) & valid
    ne_ref[...] = newe.astype(jnp.int32)
    j_col = lax.broadcasted_iota(jnp.int32, (E, 1), 0).astype(jnp.float32)
    iota_ee = lax.broadcasted_iota(jnp.int32, (E, E), 1).astype(jnp.float32)
    m_ue = ((ucum - 1.0) == j_col) & (used > 0.0)
    eu_ref[...] = jnp.sum(jnp.where(m_ue, iota_ee, 0.0), axis=1,
                          keepdims=True).astype(jnp.int32)
    nu = jnp.sum(used)
    i8 = lax.broadcasted_iota(jnp.int32, (8, 1), 0).astype(jnp.float32)
    sz_ref[...] = jnp.where(i8 == 0.0, total, nu).astype(jnp.int32)


def _router(x, Wg, bias):
    out_shape = [
        jax.ShapeDtypeStruct((T, DX), jnp.float32),
        jax.ShapeDtypeStruct((T, 1), jnp.int32),
        jax.ShapeDtypeStruct((ML, 1), jnp.int32),
        jax.ShapeDtypeStruct((ML, 1), jnp.int32),
        jax.ShapeDtypeStruct((ML, 1), jnp.int32),
        jax.ShapeDtypeStruct((ML, 1), jnp.int32),
        jax.ShapeDtypeStruct((ML, 1), jnp.int32),
        jax.ShapeDtypeStruct((E, 1), jnp.int32),
        jax.ShapeDtypeStruct((8, 1), jnp.int32),
    ]
    return pl.pallas_call(_router_body, out_shape=out_shape)(
        x, Wg, bias.reshape(1, E))


def _sc_mesh():
    return plsc.VectorSubcoreMesh(core_axis_name="c", subcore_axis_name="s",
                                  num_cores=2, num_subcores=16)


def _sc_wid():
    return lax.axis_index("s") * 2 + lax.axis_index("c")


def _scatter_body(xe_hbm, p_hbm, xs_hbm, idx_v, rows_v, sem):
    base = _sc_wid() * R
    pltpu.sync_copy(p_hbm.at[pl.ds(base, R)], idx_v)
    pltpu.sync_copy(xe_hbm.at[pl.ds(base, R)], rows_v)
    pltpu.async_copy(rows_v, xs_hbm.at[idx_v], sem).wait()


@functools.cache
def _sc_scatter():
    return pl.kernel(
        _scatter_body,
        out_type=jax.ShapeDtypeStruct((T, DX), jnp.float32),
        mesh=_sc_mesh(),
        scratch_types=[pltpu.VMEM((R,), jnp.int32),
                       pltpu.VMEM((R, DX), jnp.float32),
                       pltpu.SemaphoreType.DMA],
    )


def _gather_body(ys_hbm, p_hbm, out_hbm, idx_v, rows_v, sem):
    base = _sc_wid() * R
    pltpu.sync_copy(p_hbm.at[pl.ds(base, R)], idx_v)
    pltpu.async_copy(ys_hbm.at[idx_v], rows_v, sem).wait()
    pltpu.sync_copy(rows_v, out_hbm.at[pl.ds(base, R)])


@functools.cache
def _sc_gather():
    return pl.kernel(
        _gather_body,
        out_type=jax.ShapeDtypeStruct((T, D), jnp.float32),
        mesh=_sc_mesh(),
        scratch_types=[pltpu.VMEM((R,), jnp.int32),
                       pltpu.VMEM((R, D), jnp.float32),
                       pltpu.SemaphoreType.DMA],
    )


def _gmm_body(bt_s, lo_s, hi_s, f_s, ne_s, eu_s, sz_s,
              xs_any, wg_any, wu_any, wd_any, ys_ref,
              xs_v, wgb, wub, wdb, sem_x, sem_w):
    ntiles = sz_s[0]
    nu = sz_s[1]

    def fetch(j):
        slot = lax.rem(j, NBUF)
        e = eu_s[j]
        pltpu.make_async_copy(wg_any.at[e], wgb.at[slot],
                              sem_w.at[slot, 0]).start()
        pltpu.make_async_copy(wu_any.at[e], wub.at[slot],
                              sem_w.at[slot, 1]).start()
        pltpu.make_async_copy(wd_any.at[e], wdb.at[slot],
                              sem_w.at[slot, 2]).start()

    def wait_slot(j):
        slot = lax.rem(j, NBUF)
        e = eu_s[j]
        pltpu.make_async_copy(wg_any.at[e], wgb.at[slot],
                              sem_w.at[slot, 0]).wait()
        pltpu.make_async_copy(wu_any.at[e], wub.at[slot],
                              sem_w.at[slot, 1]).wait()
        pltpu.make_async_copy(wd_any.at[e], wdb.at[slot],
                              sem_w.at[slot, 2]).wait()

    fetch(jnp.int32(0))
    pltpu.make_async_copy(xs_any, xs_v, sem_x).start()
    for j in range(1, NBUF - 1):
        @pl.when(j < nu)
        def _(j=j):
            fetch(jnp.int32(j))
    pltpu.make_async_copy(xs_any, xs_v, sem_x).wait()

    def step(i, carry):
        @pl.when(i < ntiles)
        def _():
            fi = f_s[i]

            @pl.when(ne_s[i] == 1)
            def _():
                @pl.when(fi + (NBUF - 1) < nu)
                def _():
                    fetch(fi + (NBUF - 1))
                wait_slot(fi)

            slot = lax.rem(fi, NBUF)
            boff = bt_s[i] * BT
            xb = xs_v[pl.ds(boff, BT), :D]
            g = lax.dot_general(xb, wgb[slot], (((1,), (1,)), ((), ())),
                                preferred_element_type=jnp.float32)
            u = lax.dot_general(xb, wub[slot], (((1,), (1,)), ((), ())),
                                preferred_element_type=jnp.float32)
            h = g * jax.nn.sigmoid(g) * u
            y = lax.dot_general(h, wdb[slot], (((1,), (1,)), ((), ())),
                                preferred_element_type=jnp.float32)
            ws = xs_v[pl.ds(boff, BT), D:D + 1]
            r = lax.broadcasted_iota(jnp.int32, (BT, 1), 0)
            keep = (r >= lo_s[i]) & (r < hi_s[i])
            ys_ref[pl.ds(boff, BT), :] = jnp.where(
                keep, y * ws, ys_ref[pl.ds(boff, BT), :])
        return carry

    lax.fori_loop(0, NT, step, 0)


def _gmm(bt_t, lo_t, hi_t, f_t, ne_t, eu_t, sz_t, xs, Wgate, Wup, Wdown,
         interpret=False):
    smem = pl.BlockSpec(memory_space=pltpu.SMEM)
    anym = pl.BlockSpec(memory_space=pl.ANY)
    return pl.pallas_call(
        _gmm_body,
        in_specs=[smem, smem, smem, smem, smem, smem, smem,
                  anym, anym, anym, anym],
        out_specs=pl.BlockSpec(memory_space=pltpu.VMEM),
        out_shape=jax.ShapeDtypeStruct((T, D), jnp.float32),
        scratch_shapes=[
            pltpu.VMEM((T, DX), jnp.float32),
            pltpu.VMEM((NBUF, H, D), jnp.float32),
            pltpu.VMEM((NBUF, H, D), jnp.float32),
            pltpu.VMEM((NBUF, D, H), jnp.float32),
            pltpu.SemaphoreType.DMA,
            pltpu.SemaphoreType.DMA((NBUF, 3)),
        ],
        interpret=interpret,
    )(bt_t, lo_t, hi_t, f_t, ne_t, eu_t, sz_t, xs, Wgate, Wup, Wdown)


def kernel(x, Wg, bias, Wgate, Wup, Wdown):
    xe, p2, b_t, lo_t, hi_t, f_t, ne_t, eu_t, sz_t = _router(x, Wg, bias)
    p = p2.reshape(T)
    xs = _sc_scatter()(xe, p)
    ys = _gmm(b_t.reshape(ML), lo_t.reshape(ML), hi_t.reshape(ML),
              f_t.reshape(ML), ne_t.reshape(ML), eu_t.reshape(E),
              sz_t.reshape(8), xs, Wgate, Wup, Wdown)
    return _sc_gather()(ys, p)
    p = p2.reshape(T)
    xs, xsw = _sc_scatter()(x, xw, p)
    ys = _gmm(e_t.reshape(ML), b_t.reshape(ML), lo_t.reshape(ML),
              hi_t.reshape(ML), xs, xsw, Wgate, Wup, Wdown)
    return _sc_gather()(ys, p)

# --- scband reference (transcript-rebuilt; emitter-appended) ---
"""Pipeline reference for scband-kimi-sparse-mo-e-43963285242609 (READ-ONLY COPY).

The authoritative reference and input builder live on the scoring server;
editing this copy changes nothing except your own understanding.
"""

import jax, jax.numpy as jnp
import numpy as np

T, D, E, H, TOP_K = 2048, 768, 64, 512, 1
SCALE = 1.0

def setup_inputs(seed: int = 0) -> dict:
    key = jax.random.key(seed)
    ks = jax.random.split(key, 6)
    x = jax.random.normal(ks[0], (T, D), dtype=jnp.float32)
    Wg = jax.random.normal(ks[1], (E, D), dtype=jnp.float32) * 0.02
    bias = jnp.zeros((E,), dtype=jnp.float32)
    Wgate = jax.random.normal(ks[2], (E, H, D), dtype=jnp.float32) * 0.02
    Wup = jax.random.normal(ks[3], (E, H, D), dtype=jnp.float32) * 0.02
    Wdown = jax.random.normal(ks[4], (E, D, H), dtype=jnp.float32) * 0.02
    return {"x": x, "Wg": Wg, "bias": bias, "Wgate": Wgate, "Wup": Wup, "Wdown": Wdown}

def reference(x, Wg, bias, Wgate, Wup, Wdown):
    # router: gate linear -> sigmoid scores
    gates = x @ Wg.T
    scores = jax.nn.sigmoid(gates)
    orig_scores = scores
    biased = scores + bias  # e_score_correction_bias only affects expert selection
    # n_group == 1, so group masking path is skipped (as in the torch code)
    _, inds = jax.lax.top_k(biased, TOP_K)
    weights = jnp.take_along_axis(orig_scores, inds, axis=-1)
    # top_k == 1 -> no renormalization (torch condition: top_k > 1 and renormalize)
    weights = weights * SCALE
    # SwitchGLU: per-token gathered expert SwiGLU MLP, computed per-expert
    out = jnp.zeros((T, TOP_K, D), dtype=x.dtype)
    def body(e, out):
        xe = x
        h = jax.nn.silu(xe @ Wgate[e].T) * (xe @ Wup[e].T)
        ye = h @ Wdown[e].T
        mask = (inds == e)
        return jnp.where(mask[..., None], ye[:, None, :], out)
    out = jax.lax.fori_loop(0, E, body, out)
    out = (out * weights[..., None]).sum(axis=-2)
    # num_shared_experts == 0 -> no shared expert branch
    return out

if __name__ == "__main__":
    import jax
    _d = setup_inputs()
    print(jax.jit(kernel)(*tuple(_d.values())))

</pallas_src>

<mosaic_0001>
#map = affine_map<(d0, d1) -> (0, 0)>
#map1 = affine_map<(d0, d1) -> (0)>
module attributes {stable_mosaic.version = 14 : i64} {
  func.func @_scatter_body(%arg0: i32, %arg1: i32, %arg2: memref<2048x896xf32, #tpu.memory_space<hbm>>, %arg3: memref<2048xi32, #tpu.memory_space<hbm>>, %arg4: memref<2048x896xf32, #tpu.memory_space<hbm>>, %arg5: memref<64xi32, #tpu.memory_space<vmem>>, %arg6: memref<64x896xf32, #tpu.memory_space<vmem>>, %arg7: memref<!tpu.dma_semaphore, #tpu.memory_space<semaphore_mem>>) attributes {dimension_semantics = [#tpu.dimension_semantics<core_parallel>, #tpu.dimension_semantics<subcore_parallel>], iteration_bounds = array<i64: 2, 16>, scalar_prefetch = 0 : i64, scratch_operands = 3 : i64, tpu.core_type = #tpu.core_type<sc_vector_subcore>, window_params = [{transform_indices = #map}, {transform_indices = #map1}, {transform_indices = #map}]} {
    %mul3A = arith.constant 2 : i32
    %mul3A_0 = arith.muli %arg1, %mul3A : i32
    %add3A = arith.addi %mul3A_0, %arg0 : i32
    %mul3A_1 = arith.constant 64 : i32
    %mul3A_2 = arith.muli %add3A, %mul3A_1 : i32
    "tpu.region"() ({
      %run_scoped3A = tpu.sem_alloc : memref<!tpu.dma_semaphore, #tpu.memory_space<semaphore_mem>>
      %dma_start3A_7 = tpu.memref_slice %arg3[%mul3A_2] : memref<2048xi32, #tpu.memory_space<hbm>> -> memref<64xi32, #tpu.memory_space<hbm>>
      %dma_start3A_8 = tpu.memref_slice %arg3[%mul3A_2] : memref<2048xi32, #tpu.memory_space<hbm>> -> memref<64xi32, #tpu.memory_space<hbm>>
      tpu.enqueue_dma source(%dma_start3A_8 : memref<64xi32, #tpu.memory_space<hbm>>) target(%arg5 : memref<64xi32, #tpu.memory_space<vmem>>) target_semaphore(%run_scoped3A : memref<!tpu.dma_semaphore, #tpu.memory_space<semaphore_mem>>)
      %dma_wait3A_9 = tpu.memref_slice %arg3[%mul3A_2] : memref<2048xi32, #tpu.memory_space<hbm>> -> memref<64xi32, #tpu.memory_space<hbm>>
      %dma_wait3A_10 = tpu.memref_slice %arg3[%mul3A_2] : memref<2048xi32, #tpu.memory_space<hbm>> -> memref<64xi32, #tpu.memory_space<hbm>>
      tpu.wait_dma2 semaphore(%run_scoped3A : memref<!tpu.dma_semaphore, #tpu.memory_space<semaphore_mem>>) src(%dma_wait3A_10 : memref<64xi32, #tpu.memory_space<hbm>>) dst(%arg5 : memref<64xi32, #tpu.memory_space<vmem>>)
      tpu.yield
    }) : () -> ()
    "tpu.region"() ({
      %run_scoped3A = tpu.sem_alloc : memref<!tpu.dma_semaphore, #tpu.memory_space<semaphore_mem>>
      %dma_start3A_7 = arith.constant 0 : i32
      %dma_start3A_8 = tpu.memref_slice %arg2[%mul3A_2, %dma_start3A_7] : memref<2048x896xf32, #tpu.memory_space<hbm>> -> memref<64x896xf32, #tpu.memory_space<hbm>>
      %dma_start3A_9 = arith.constant 0 : i32
      %dma_start3A_10 = tpu.memref_slice %arg2[%mul3A_2, %dma_start3A_9] : memref<2048x896xf32, #tpu.memory_space<hbm>> -> memref<64x896xf32, #tpu.memory_space<hbm>>
      tpu.enqueue_dma source(%dma_start3A_10 : memref<64x896xf32, #tpu.memory_space<hbm>>) target(%arg6 : memref<64x896xf32, #tpu.memory_space<vmem>>) target_semaphore(%run_scoped3A : memref<!tpu.dma_semaphore, #tpu.memory_space<semaphore_mem>>)
      %dma_wait3A_11 = arith.constant 0 : i32
      %dma_wait3A_12 = tpu.memref_slice %arg2[%mul3A_2, %dma_wait3A_11] : memref<2048x896xf32, #tpu.memory_space<hbm>> -> memref<64x896xf32, #tpu.memory_space<hbm>>
      %dma_wait3A_13 = arith.constant 0 : i32
      %dma_wait3A_14 = tpu.memref_slice %arg2[%mul3A_2, %dma_wait3A_13] : memref<2048x896xf32, #tpu.memory_space<hbm>> -> memref<64x896xf32, #tpu.memory_space<hbm>>
      tpu.wait_dma2 semaphore(%run_scoped3A : memref<!tpu.dma_semaphore, #tpu.memory_space<semaphore_mem>>) src(%dma_wait3A_14 : memref<64x896xf32, #tpu.memory_space<hbm>>) dst(%arg6 : memref<64x896xf32, #tpu.memory_space<vmem>>)
      tpu.yield
    }) : () -> ()
    %dma_start3A = arith.constant 0 : i32
    %dma_start3A_3 = arith.constant 0 : i32
    %dma_start3A_4 = tpu.memref_slice %arg4[%dma_start3A, %dma_start3A_3] : memref<2048x896xf32, #tpu.memory_space<hbm>> -> memref<2048x896xf32, #tpu.memory_space<hbm>>
    tpu.enqueue_indirect_dma source(%arg6 : memref<64x896xf32, #tpu.memory_space<vmem>>) target(%dma_start3A_4 : memref<2048x896xf32, #tpu.memory_space<hbm>>) offsets(%arg5 : memref<64xi32, #tpu.memory_space<vmem>>) semaphore(%arg7 : memref<!tpu.dma_semaphore, #tpu.memory_space<semaphore_mem>>)
    %dma_wait3A = arith.constant 0 : i32
    %dma_wait3A_5 = arith.constant 0 : i32
    %dma_wait3A_6 = tpu.memref_slice %arg4[%dma_wait3A, %dma_wait3A_5] : memref<2048x896xf32, #tpu.memory_space<hbm>> -> memref<2048x896xf32, #tpu.memory_space<hbm>>
    tpu.wait_indirect_dma semaphore(%arg7 : memref<!tpu.dma_semaphore, #tpu.memory_space<semaphore_mem>>) src(%arg6 : memref<64x896xf32, #tpu.memory_space<vmem>>) dst(%dma_wait3A_6 : memref<2048x896xf32, #tpu.memory_space<hbm>>)
    return
  }
}

#map = affine_map<(d0, d1) -> (0, 0)>
#map1 = affine_map<(d0, d1) -> (0)>
module attributes {stable_mosaic.version = 14 : i64} {
  func.func @_gather_body(%arg0: i32, %arg1: i32, %arg2: memref<2048x768xf32, #tpu.memory_space<hbm>>, %arg3: memref<2048xi32, #tpu.memory_space<hbm>>, %arg4: memref<2048x768xf32, #tpu.memory_space<hbm>>, %arg5: memref<64xi32, #tpu.memory_space<vmem>>, %arg6: memref<64x768xf32, #tpu.memory_space<vmem>>, %arg7: memref<!tpu.dma_semaphore, #tpu.memory_space<semaphore_mem>>) attributes {dimension_semantics = [#tpu.dimension_semantics<core_parallel>, #tpu.dimension_semantics<subcore_parallel>], iteration_bounds = array<i64: 2, 16>, scalar_prefetch = 0 : i64, scratch_operands = 3 : i64, tpu.core_type = #tpu.core_type<sc_vector_subcore>, window_params = [{transform_indices = #map}, {transform_indices = #map1}, {transform_indices = #map}]} {
    %mul3A = arith.constant 2 : i32
    %mul3A_0 = arith.muli %arg1, %mul3A : i32
    %add3A = arith.addi %mul3A_0, %arg0 : i32
    %mul3A_1 = arith.constant 64 : i32
    %mul3A_2 = arith.muli %add3A, %mul3A_1 : i32
    "tpu.region"() ({
      %run_scoped3A = tpu.sem_alloc : memref<!tpu.dma_semaphore, #tpu.memory_space<semaphore_mem>>
      %dma_start3A_7 = tpu.memref_slice %arg3[%mul3A_2] : memref<2048xi32, #tpu.memory_space<hbm>> -> memref<64xi32, #tpu.memory_space<hbm>>
      %dma_start3A_8 = tpu.memref_slice %arg3[%mul3A_2] : memref<2048xi32, #tpu.memory_space<hbm>> -> memref<64xi32, #tpu.memory_space<hbm>>
      tpu.enqueue_dma source(%dma_start3A_8 : memref<64xi32, #tpu.memory_space<hbm>>) target(%arg5 : memref<64xi32, #tpu.memory_space<vmem>>) target_semaphore(%run_scoped3A : memref<!tpu.dma_semaphore, #tpu.memory_space<semaphore_mem>>)
      %dma_wait3A_9 = tpu.memref_slice %arg3[%mul3A_2] : memref<2048xi32, #tpu.memory_space<hbm>> -> memref<64xi32, #tpu.memory_space<hbm>>
      %dma_wait3A_10 = tpu.memref_slice %arg3[%mul3A_2] : memref<2048xi32, #tpu.memory_space<hbm>> -> memref<64xi32, #tpu.memory_space<hbm>>
      tpu.wait_dma2 semaphore(%run_scoped3A : memref<!tpu.dma_semaphore, #tpu.memory_space<semaphore_mem>>) src(%dma_wait3A_10 : memref<64xi32, #tpu.memory_space<hbm>>) dst(%arg5 : memref<64xi32, #tpu.memory_space<vmem>>)
      tpu.yield
    }) : () -> ()
    %dma_start3A = arith.constant 0 : i32
    %dma_start3A_3 = arith.constant 0 : i32
    %dma_start3A_4 = tpu.memref_slice %arg2[%dma_start3A, %dma_start3A_3] : memref<2048x768xf32, #tpu.memory_space<hbm>> -> memref<2048x768xf32, #tpu.memory_space<hbm>>
    tpu.enqueue_indirect_dma source(%dma_start3A_4 : memref<2048x768xf32, #tpu.memory_space<hbm>>) target(%arg6 : memref<64x768xf32, #tpu.memory_space<vmem>>) offsets(%arg5 : memref<64xi32, #tpu.memory_space<vmem>>) semaphore(%arg7 : memref<!tpu.dma_semaphore, #tpu.memory_space<semaphore_mem>>)
    %dma_wait3A = arith.constant 0 : i32
    %dma_wait3A_5 = arith.constant 0 : i32
    %dma_wait3A_6 = tpu.memref_slice %arg2[%dma_wait3A, %dma_wait3A_5] : memref<2048x768xf32, #tpu.memory_space<hbm>> -> memref<2048x768xf32, #tpu.memory_space<hbm>>
    tpu.wait_indirect_dma semaphore(%arg7 : memref<!tpu.dma_semaphore, #tpu.memory_space<semaphore_mem>>) src(%dma_wait3A_6 : memref<2048x768xf32, #tpu.memory_space<hbm>>) dst(%arg6 : memref<64x768xf32, #tpu.memory_space<vmem>>)
    "tpu.region"() ({
      %run_scoped3A = tpu.sem_alloc : memref<!tpu.dma_semaphore, #tpu.memory_space<semaphore_mem>>
      %dma_start3A_7 = arith.constant 0 : i32
      %dma_start3A_8 = tpu.memref_slice %arg4[%mul3A_2, %dma_start3A_7] : memref<2048x768xf32, #tpu.memory_space<hbm>> -> memref<64x768xf32, #tpu.memory_space<hbm>>
      %dma_start3A_9 = arith.constant 0 : i32
      %dma_start3A_10 = tpu.memref_slice %arg4[%mul3A_2, %dma_start3A_9] : memref<2048x768xf32, #tpu.memory_space<hbm>> -> memref<64x768xf32, #tpu.memory_space<hbm>>
      tpu.enqueue_dma source(%arg6 : memref<64x768xf32, #tpu.memory_space<vmem>>) target(%dma_start3A_10 : memref<64x768xf32, #tpu.memory_space<hbm>>) target_semaphore(%run_scoped3A : memref<!tpu.dma_semaphore, #tpu.memory_space<semaphore_mem>>)
      %dma_wait3A_11 = arith.constant 0 : i32
      %dma_wait3A_12 = tpu.memref_slice %arg4[%mul3A_2, %dma_wait3A_11] : memref<2048x768xf32, #tpu.memory_space<hbm>> -> memref<64x768xf32, #tpu.memory_space<hbm>>
      %dma_wait3A_13 = arith.constant 0 : i32
      %dma_wait3A_14 = tpu.memref_slice %arg4[%mul3A_2, %dma_wait3A_13] : memref<2048x768xf32, #tpu.memory_space<hbm>> -> memref<64x768xf32, #tpu.memory_space<hbm>>
      tpu.wait_dma2 semaphore(%run_scoped3A : memref<!tpu.dma_semaphore, #tpu.memory_space<semaphore_mem>>) src(%arg6 : memref<64x768xf32, #tpu.memory_space<vmem>>) dst(%dma_wait3A_14 : memref<64x768xf32, #tpu.memory_space<hbm>>)
      tpu.yield
    }) : () -> ()
    return
  }
}

module attributes {stable_mosaic.version = 14 : i64} {
  func.func @_router_body(%arg0: memref<2048x768xf32, #tpu.memory_space<vmem>>, %arg1: memref<64x768xf32, #tpu.memory_space<vmem>>, %arg2: memref<1x64xf32, #tpu.memory_space<vmem>>, %arg3: memref<2048x896xf32, #tpu.memory_space<vmem>>, %arg4: memref<2048x1xi32, #tpu.memory_space<vmem>>, %arg5: memref<128x1xi32, #tpu.memory_space<vmem>>, %arg6: memref<128x1xi32, #tpu.memory_space<vmem>>, %arg7: memref<128x1xi32, #tpu.memory_space<vmem>>, %arg8: memref<128x1xi32, #tpu.memory_space<vmem>>, %arg9: memref<128x1xi32, #tpu.memory_space<vmem>>, %arg10: memref<64x1xi32, #tpu.memory_space<vmem>>, %arg11: memref<8x1xi32, #tpu.memory_space<vmem>>) attributes {dimension_semantics = [], scalar_prefetch = 0 : i64, scratch_operands = 0 : i64, tpu.core_type = #tpu.core_type<tc>} {
    %get3A = arith.constant 0 : index
    %get3A_0 = arith.constant 0 : index
    %get3A_1 = vector.load %arg0[%get3A, %get3A_0] : memref<2048x768xf32, #tpu.memory_space<vmem>>, vector<2048x768xf32>
    %get3A_2 = arith.constant 0 : index
    %get3A_3 = arith.constant 0 : index
    %get3A_4 = vector.load %arg1[%get3A_2, %get3A_3] : memref<64x768xf32, #tpu.memory_space<vmem>>, vector<64x768xf32>
    %dot_general3A = arith.constant dense<0.000000e+00> : vector<2048x64xf32>
    %dot_general3A_5 = tpu.matmul %get3A_1, %get3A_4, %dot_general3A {dimension_numbers = #tpu.dot_dimension_numbers<[1], [1], [0], [0], [0, 0, 1, 0], [], []>, transpose_lhs_hint = false} : vector<2048x768xf32>, vector<64x768xf32>, vector<2048x64xf32> -> vector<2048x64xf32>
    %logistic3A = arith.negf %dot_general3A_5 : vector<2048x64xf32>
    %logistic3A_6 = math.exp %logistic3A : vector<2048x64xf32>
    %logistic3A_7 = arith.constant 1.000000e+00 : f32
    %logistic3A_8 = vector.broadcast %logistic3A_7 : f32 to vector<2048x64xf32>
    %logistic3A_9 = arith.addf %logistic3A_8, %logistic3A_6 : vector<2048x64xf32>
    %logistic3A_10 = arith.divf %logistic3A_8, %logistic3A_9 : vector<2048x64xf32>
    %get3A_11 = arith.constant 0 : index
    %get3A_12 = arith.constant 0 : index
    %get3A_13 = vector.load %arg2[%get3A_11, %get3A_12] : memref<1x64xf32, #tpu.memory_space<vmem>>, vector<1x64xf32>
    %add3A = vector.broadcast %get3A_13 : vector<1x64xf32> to vector<2048x64xf32>
    %add3A_14 = arith.addf %logistic3A_10, %add3A : vector<2048x64xf32>
    %reduce_max3A = arith.constant dense<0xFF800000> : vector<2048xf32>
    %reduce_max3A_15 = vector.multi_reduction <maximumf>, %add3A_14, %reduce_max3A [1] : vector<2048x64xf32> to vector<2048xf32>
    %broadcast_in_dim3A = vector.shape_cast %reduce_max3A_15 : vector<2048xf32> to vector<2048x1xf32>
    %iota3A = tpu.iota {dimensions = array<i32: 1>} : vector<2048x64xi32>
    %ge3A = vector.broadcast %broadcast_in_dim3A : vector<2048x1xf32> to vector<2048x64xf32>
    %ge3A_16 = arith.cmpf oge, %add3A_14, %ge3A : vector<2048x64xf32>
    %jit3A = arith.constant 64 : i32
    %broadcast_in_dim3A_17 = vector.broadcast %jit3A : i32 to vector<2048x64xi32>
    %select_n3A = arith.select %ge3A_16, %iota3A, %broadcast_in_dim3A_17 : vector<2048x64xi1>, vector<2048x64xi32>
    %reduce_min3A = arith.constant dense<2147483647> : vector<2048xi32>
    %reduce_min3A_18 = vector.multi_reduction <minsi>, %select_n3A, %reduce_min3A [1] : vector<2048x64xi32> to vector<2048xi32>
    %broadcast_in_dim3A_19 = vector.shape_cast %reduce_min3A_18 : vector<2048xi32> to vector<2048x1xi32>
    %eq3A = vector.broadcast %broadcast_in_dim3A_19 : vector<2048x1xi32> to vector<2048x64xi32>
    %eq3A_20 = arith.cmpi eq, %iota3A, %eq3A : vector<2048x64xi32>
    %jit3A_21 = arith.constant 0.000000e+00 : f32
    %broadcast_in_dim3A_22 = vector.broadcast %jit3A_21 : f32 to vector<2048x64xf32>
    %select_n3A_23 = arith.select %eq3A_20, %logistic3A_10, %broadcast_in_dim3A_22 : vector<2048x64xi1>, vector<2048x64xf32>
    %reduce_sum3A = arith.constant dense<0.000000e+00> : vector<2048xf32>
    %reduce_sum3A_24 = vector.multi_reduction <add>, %select_n3A_23, %reduce_sum3A [1] : vector<2048x64xf32> to vector<2048xf32>
    %broadcast_in_dim3A_25 = vector.shape_cast %reduce_sum3A_24 : vector<2048xf32> to vector<2048x1xf32>
    %swap3A = arith.constant 0 : index
    %swap3A_26 = arith.constant 0 : index
    %swap3A_27 = vector.load %arg3[%swap3A, %swap3A_26] : memref<2048x896xf32, #tpu.memory_space<vmem>>, vector<2048x768xf32>
    tpu.vector_store %arg3[%swap3A, %swap3A_26], %get3A_1 {strides = array<i32>} : memref<2048x896xf32, #tpu.memory_space<vmem>>, vector<2048x768xf32>,
    %broadcast_in_dim3A_28 = vector.shape_cast %broadcast_in_dim3A_25 : vector<2048x1xf32> to vector<2048x1xf32>
    %broadcast_in_dim3A_29 = vector.broadcast %broadcast_in_dim3A_28 : vector<2048x1xf32> to vector<2048x128xf32>
    %swap3A_30 = arith.constant 0 : index
    %swap3A_31 = arith.constant 768 : index
    %swap3A_32 = vector.load %arg3[%swap3A_30, %swap3A_31] : memref<2048x896xf32, #tpu.memory_space<vmem>>, vector<2048x128xf32>
    tpu.vector_store %arg3[%swap3A_30, %swap3A_31], %broadcast_in_dim3A_29 {strides = array<i32>} : memref<2048x896xf32, #tpu.memory_space<vmem>>, vector<2048x128xf32>,
    %convert_element_type3A = arith.extui %eq3A_20 : vector<2048x64xi1> to vector<2048x64xi32>
    %convert_element_type3A_33 = arith.sitofp %convert_element_type3A : vector<2048x64xi32> to vector<2048x64xf32>
    %convert_element_type3A_34 = arith.truncf %convert_element_type3A_33 : vector<2048x64xf32> to vector<2048x64xbf16>
    %iota3A_35 = tpu.iota {dimensions = array<i32: 0>} : vector<2048x2048xi32>
    %iota3A_36 = tpu.iota {dimensions = array<i32: 1>} : vector<2048x2048xi32>
    %gt3A = arith.cmpi sgt, %iota3A_35, %iota3A_36 : vector<2048x2048xi32>
    %convert_element_type3A_37 = arith.extui %gt3A : vector<2048x2048xi1> to vector<2048x2048xi32>
    %convert_element_type3A_38 = arith.sitofp %convert_element_type3A_37 : vector<2048x2048xi32> to vector<2048x2048xf32>
    %convert_element_type3A_39 = arith.truncf %convert_element_type3A_38 : vector<2048x2048xf32> to vector<2048x2048xbf16>
    %dot_general3A_40 = arith.constant dense<0.000000e+00> : vector<2048x64xf32>
    %dot_general3A_41 = tpu.matmul %convert_element_type3A_39, %convert_element_type3A_34, %dot_general3A_40 {dimension_numbers = #tpu.dot_dimension_numbers<[1], [0], [0], [1], [0, 0, 1, 1], [], []>, transpose_lhs_hint = false} : vector<2048x2048xbf16>, vector<2048x64xbf16>, vector<2048x64xf32> -> vector<2048x64xf32>
    %convert_element_type3A_42 = arith.extui %eq3A_20 : vector<2048x64xi1> to vector<2048x64xi32>
    %convert_element_type3A_43 = arith.sitofp %convert_element_type3A_42 : vector<2048x64xi32> to vector<2048x64xf32>
    %reduce_sum3A_44 = arith.constant dense<0.000000e+00> : vector<64xf32>
    %reduce_sum3A_45 = vector.multi_reduction <add>, %convert_element_type3A_43, %reduce_sum3A_44 [0] : vector<2048x64xf32> to vector<64xf32>
    %broadcast_in_dim3A_46 = vector.shape_cast %reduce_sum3A_45 : vector<64xf32> to vector<1x64xf32>
    %iota3A_47 = tpu.iota {dimensions = array<i32: 0>} : vector<64x64xi32>
    %iota3A_48 = tpu.iota {dimensions = array<i32: 1>} : vector<64x64xi32>
    %lt3A = arith.cmpi slt, %iota3A_47, %iota3A_48 : vector<64x64xi32>
    %convert_element_type3A_49 = arith.extui %lt3A : vector<64x64xi1> to vector<64x64xi32>
    %convert_element_type3A_50 = arith.sitofp %convert_element_type3A_49 : vector<64x64xi32> to vector<64x64xf32>
    %dot_general3A_51 = arith.constant dense<0.000000e+00> : vector<1x64xf32>
    %dot_general3A_52 = tpu.matmul %broadcast_in_dim3A_46, %convert_element_type3A_50, %dot_general3A_51 {dimension_numbers = #tpu.dot_dimension_numbers<[1], [0], [0], [1], [0, 0, 1, 1], [], []>, precision = #tpu.contract_precision<fp32>, transpose_lhs_hint = false} : vector<1x64xf32>, vector<64x64xf32>, vector<1x64xf32> -> vector<1x64xf32>
    %add3A_53 = vector.broadcast %dot_general3A_52 : vector<1x64xf32> to vector<2048x64xf32>
    %add3A_54 = arith.addf %dot_general3A_41, %add3A_53 : vector<2048x64xf32>
    %jit3A_55 = arith.constant 0.000000e+00 : f32
    %broadcast_in_dim3A_56 = vector.broadcast %jit3A_55 : f32 to vector<2048x64xf32>
    %select_n3A_57 = arith.select %eq3A_20, %add3A_54, %broadcast_in_dim3A_56 : vector<2048x64xi1>, vector<2048x64xf32>
    %reduce_sum3A_58 = arith.constant dense<0.000000e+00> : vector<2048xf32>
    %reduce_sum3A_59 = vector.multi_reduction <add>, %select_n3A_57, %reduce_sum3A_58 [1] : vector<2048x64xf32> to vector<2048xf32>
    %broadcast_in_dim3A_60 = vector.shape_cast %reduce_sum3A_59 : vector<2048xf32> to vector<2048x1xf32>
    %convert_element_type3A_61 = arith.fptosi %broadcast_in_dim3A_60 : vector<2048x1xf32> to vector<2048x1xi32>
    %swap3A_62 = arith.constant 0 : index
    %swap3A_63 = arith.constant 0 : index
    %swap3A_64 = vector.load %arg4[%swap3A_62, %swap3A_63] : memref<2048x1xi32, #tpu.memory_space<vmem>>, vector<2048x1xi32>
    tpu.vector_store %arg4[%swap3A_62, %swap3A_63], %convert_element_type3A_61 {strides = array<i32>} : memref<2048x1xi32, #tpu.memory_space<vmem>>, vector<2048x1xi32>,
    %add3A_65 = arith.addf %dot_general3A_52, %broadcast_in_dim3A_46 : vector<1x64xf32>
    %gt3A_66 = arith.constant 0.000000e+00 : f32
    %gt3A_67 = vector.broadcast %gt3A_66 : f32 to vector<1x64xf32>
    %gt3A_68 = arith.cmpf ogt, %broadcast_in_dim3A_46, %gt3A_67 : vector<1x64xf32>
    %mul3A = arith.constant 7.812500e-03 : f32
    %mul3A_69 = vector.broadcast %mul3A : f32 to vector<1x64xf32>
    %mul3A_70 = arith.mulf %dot_general3A_52, %mul3A_69 : vector<1x64xf32>
    %floor3A = math.floor %mul3A_70 : vector<1x64xf32>
    %sub3A = arith.constant 1.000000e+00 : f32
    %sub3A_71 = vector.broadcast %sub3A : f32 to vector<1x64xf32>
    %sub3A_72 = arith.subf %add3A_65, %sub3A_71 : vector<1x64xf32>
    %mul3A_73 = arith.constant 7.812500e-03 : f32
    %mul3A_74 = vector.broadcast %mul3A_73 : f32 to vector<1x64xf32>
    %mul3A_75 = arith.mulf %sub3A_72, %mul3A_74 : vector<1x64xf32>
    %floor3A_76 = math.floor %mul3A_75 : vector<1x64xf32>
    %sub3A_77 = arith.subf %floor3A_76, %floor3A : vector<1x64xf32>
    %add3A_78 = arith.constant 1.000000e+00 : f32
    %add3A_79 = vector.broadcast %add3A_78 : f32 to vector<1x64xf32>
    %add3A_80 = arith.addf %sub3A_77, %add3A_79 : vector<1x64xf32>
    %jit3A_81 = arith.constant 0.000000e+00 : f32
    %broadcast_in_dim3A_82 = vector.broadcast %jit3A_81 : f32 to vector<1x64xf32>
    %select_n3A_83 = arith.select %gt3A_68, %add3A_80, %broadcast_in_dim3A_82 : vector<1x64xi1>, vector<1x64xf32>
    %dot_general3A_84 = arith.constant dense<0.000000e+00> : vector<1x64xf32>
    %dot_general3A_85 = tpu.matmul %select_n3A_83, %convert_element_type3A_50, %dot_general3A_84 {dimension_numbers = #tpu.dot_dimension_numbers<[1], [0], [0], [1], [0, 0, 1, 1], [], []>, precision = #tpu.contract_precision<fp32>, transpose_lhs_hint = false} : vector<1x64xf32>, vector<64x64xf32>, vector<1x64xf32> -> vector<1x64xf32>
    %add3A_86 = arith.addf %dot_general3A_85, %select_n3A_83 : vector<1x64xf32>
    %slice3A = vector.extract_strided_slice %dot_general3A_85 {offsets = [0, 63], sizes = [1, 1], strides = [1, 1]} : vector<1x64xf32> to vector<1x1xf32>
    %squeeze3A = vector.extract %slice3A[0, 0] : f32 from vector<1x1xf32>
    %slice3A_87 = vector.extract_strided_slice %select_n3A_83 {offsets = [0, 63], sizes = [1, 1], strides = [1, 1]} : vector<1x64xf32> to vector<1x1xf32>
    %squeeze3A_88 = vector.extract %slice3A_87[0, 0] : f32 from vector<1x1xf32>
    %add3A_89 = arith.addf %squeeze3A, %squeeze3A_88 : f32
    %iota3A_90 = tpu.iota {dimensions = array<i32: 0>} : vector<128x1xi32>
    %convert_element_type3A_91 = arith.sitofp %iota3A_90 : vector<128x1xi32> to vector<128x1xf32>
    %sub3A_92 = arith.constant 1.000000e+00 : f32
    %sub3A_93 = arith.subf %add3A_89, %sub3A_92 : f32
    %min3A = vector.broadcast %sub3A_93 : f32 to vector<128x1xf32>
    %min3A_94 = arith.minimumf %convert_element_type3A_91, %min3A : vector<128x1xf32>
    %le3A = vector.broadcast %add3A_86 : vector<1x64xf32> to vector<128x64xf32>
    %le3A_95 = vector.broadcast %min3A_94 : vector<128x1xf32> to vector<128x64xf32>
    %le3A_96 = arith.cmpf ole, %le3A, %le3A_95 : vector<128x64xf32>
    %convert_element_type3A_97 = arith.extui %le3A_96 : vector<128x64xi1> to vector<128x64xi32>
    %convert_element_type3A_98 = arith.sitofp %convert_element_type3A_97 : vector<128x64xi32> to vector<128x64xf32>
    %reduce_sum3A_99 = arith.constant dense<0.000000e+00> : vector<128xf32>
    %reduce_sum3A_100 = vector.multi_reduction <add>, %convert_element_type3A_98, %reduce_sum3A_99 [1] : vector<128x64xf32> to vector<128xf32>
    %broadcast_in_dim3A_101 = vector.shape_cast %reduce_sum3A_100 : vector<128xf32> to vector<128x1xf32>
    %iota3A_102 = tpu.iota {dimensions = array<i32: 1>} : vector<128x64xi32>
    %convert_element_type3A_103 = arith.sitofp %iota3A_102 : vector<128x64xi32> to vector<128x64xf32>
    %eq3A_104 = vector.broadcast %broadcast_in_dim3A_101 : vector<128x1xf32> to vector<128x64xf32>
    %eq3A_105 = arith.cmpf oeq, %convert_element_type3A_103, %eq3A_104 : vector<128x64xf32>
    %jit3A_106 = arith.constant 0.000000e+00 : f32
    %broadcast_in_dim3A_107 = vector.shape_cast %dot_general3A_52 : vector<1x64xf32> to vector<1x64xf32>
    %broadcast_in_dim3A_108 = vector.broadcast %broadcast_in_dim3A_107 : vector<1x64xf32> to vector<128x64xf32>
    %broadcast_in_dim3A_109 = vector.broadcast %jit3A_106 : f32 to vector<128x64xf32>
    %select_n3A_110 = arith.select %eq3A_105, %broadcast_in_dim3A_108, %broadcast_in_dim3A_109 : vector<128x64xi1>, vector<128x64xf32>
    %reduce_sum3A_111 = arith.constant dense<0.000000e+00> : vector<128xf32>
    %reduce_sum3A_112 = vector.multi_reduction <add>, %select_n3A_110, %reduce_sum3A_111 [1] : vector<128x64xf32> to vector<128xf32>
    %broadcast_in_dim3A_113 = vector.shape_cast %reduce_sum3A_112 : vector<128xf32> to vector<128x1xf32>
    %jit3A_114 = arith.constant 0.000000e+00 : f32
    %broadcast_in_dim3A_115 = vector.shape_cast %add3A_65 : vector<1x64xf32> to vector<1x64xf32>
    %broadcast_in_dim3A_116 = vector.broadcast %broadcast_in_dim3A_115 : vector<1x64xf32> to vector<128x64xf32>
    %broadcast_in_dim3A_117 = vector.broadcast %jit3A_114 : f32 to vector<128x64xf32>
    %select_n3A_118 = arith.select %eq3A_105, %broadcast_in_dim3A_116, %broadcast_in_dim3A_117 : vector<128x64xi1>, vector<128x64xf32>
    %reduce_sum3A_119 = arith.constant dense<0.000000e+00> : vector<128xf32>
    %reduce_sum3A_120 = vector.multi_reduction <add>, %select_n3A_118, %reduce_sum3A_119 [1] : vector<128x64xf32> to vector<128xf32>
    %broadcast_in_dim3A_121 = vector.shape_cast %reduce_sum3A_120 : vector<128xf32> to vector<128x1xf32>
    %jit3A_122 = arith.constant 0.000000e+00 : f32
    %broadcast_in_dim3A_123 = vector.shape_cast %floor3A : vector<1x64xf32> to vector<1x64xf32>
    %broadcast_in_dim3A_124 = vector.broadcast %broadcast_in_dim3A_123 : vector<1x64xf32> to vector<128x64xf32>
    %broadcast_in_dim3A_125 = vector.broadcast %jit3A_122 : f32 to vector<128x64xf32>
    %select_n3A_126 = arith.select %eq3A_105, %broadcast_in_dim3A_124, %broadcast_in_dim3A_125 : vector<128x64xi1>, vector<128x64xf32>
    %reduce_sum3A_127 = arith.constant dense<0.000000e+00> : vector<128xf32>
    %reduce_sum3A_128 = vector.multi_reduction <add>, %select_n3A_126, %reduce_sum3A_127 [1] : vector<128x64xf32> to vector<128xf32>
    %broadcast_in_dim3A_129 = vector.shape_cast %reduce_sum3A_128 : vector<128xf32> to vector<128x1xf32>
    %jit3A_130 = arith.constant 0.000000e+00 : f32
    %broadcast_in_dim3A_131 = vector.shape_cast %dot_general3A_85 : vector<1x64xf32> to vector<1x64xf32>
    %broadcast_in_dim3A_132 = vector.broadcast %broadcast_in_dim3A_131 : vector<1x64xf32> to vector<128x64xf32>
    %broadcast_in_dim3A_133 = vector.broadcast %jit3A_130 : f32 to vector<128x64xf32>
    %select_n3A_134 = arith.select %eq3A_105, %broadcast_in_dim3A_132, %broadcast_in_dim3A_133 : vector<128x64xi1>, vector<128x64xf32>
    %reduce_sum3A_135 = arith.constant dense<0.000000e+00> : vector<128xf32>
    %reduce_sum3A_136 = vector.multi_reduction <add>, %select_n3A_134, %reduce_sum3A_135 [1] : vector<128x64xf32> to vector<128xf32>
    %broadcast_in_dim3A_137 = vector.shape_cast %reduce_sum3A_136 : vector<128xf32> to vector<128x1xf32>
    %sub3A_138 = arith.subf %min3A_94, %broadcast_in_dim3A_137 : vector<128x1xf32>
    %add3A_139 = arith.addf %broadcast_in_dim3A_129, %sub3A_138 : vector<128x1xf32>
    %mul3A_140 = arith.constant 1.280000e+02 : f32
    %mul3A_141 = vector.broadcast %mul3A_140 : f32 to vector<128x1xf32>
    %mul3A_142 = arith.mulf %add3A_139, %mul3A_141 : vector<128x1xf32>
    %max3A = arith.maximumf %broadcast_in_dim3A_113, %mul3A_142 : vector<128x1xf32>
    %sub3A_143 = arith.subf %max3A, %mul3A_142 : vector<128x1xf32>
    %add3A_144 = arith.constant 1.280000e+02 : f32
    %add3A_145 = vector.broadcast %add3A_144 : f32 to vector<128x1xf32>
    %add3A_146 = arith.addf %mul3A_142, %add3A_145 : vector<128x1xf32>
    %min3A_147 = arith.minimumf %broadcast_in_dim3A_121, %add3A_146 : vector<128x1xf32>
    %sub3A_148 = arith.subf %min3A_147, %mul3A_142 : vector<128x1xf32>
    %lt3A_149 = vector.broadcast %add3A_89 : f32 to vector<128x1xf32>
    %lt3A_150 = arith.cmpf olt, %convert_element_type3A_91, %lt3A_149 : vector<128x1xf32>
    %jit3A_151 = arith.constant 0.000000e+00 : f32
    %broadcast_in_dim3A_152 = vector.broadcast %jit3A_151 : f32 to vector<128x1xf32>
    %select_n3A_153 = arith.select %lt3A_150, %sub3A_143, %broadcast_in_dim3A_152 : vector<128x1xi1>, vector<128x1xf32>
    %jit3A_154 = arith.constant 0.000000e+00 : f32
    %broadcast_in_dim3A_155 = vector.broadcast %jit3A_154 : f32 to vector<128x1xf32>
    %select_n3A_156 = arith.select %lt3A_150, %sub3A_148, %broadcast_in_dim3A_155 : vector<128x1xi1>, vector<128x1xf32>
    %convert_element_type3A_157 = arith.fptosi %add3A_139 : vector<128x1xf32> to vector<128x1xi32>
    %swap3A_158 = arith.constant 0 : index
    %swap3A_159 = arith.constant 0 : index
    %swap3A_160 = vector.load %arg5[%swap3A_158, %swap3A_159] : memref<128x1xi32, #tpu.memory_space<vmem>>, vector<128x1xi32>
    tpu.vector_store %arg5[%swap3A_158, %swap3A_159], %convert_element_type3A_157 {strides = array<i32>} : memref<128x1xi32, #tpu.memory_space<vmem>>, vector<128x1xi32>,
    %convert_element_type3A_161 = arith.fptosi %select_n3A_153 : vector<128x1xf32> to vector<128x1xi32>
    %swap3A_162 = arith.constant 0 : index
    %swap3A_163 = arith.constant 0 : index
    %swap3A_164 = vector.load %arg6[%swap3A_162, %swap3A_163] : memref<128x1xi32, #tpu.memory_space<vmem>>, vector<128x1xi32>
    tpu.vector_store %arg6[%swap3A_162, %swap3A_163], %convert_element_type3A_161 {strides = array<i32>} : memref<128x1xi32, #tpu.memory_space<vmem>>, vector<128x1xi32>,
    %convert_element_type3A_165 = arith.fptosi %select_n3A_156 : vector<128x1xf32> to vector<128x1xi32>
    %swap3A_166 = arith.constant 0 : index
    %swap3A_167 = arith.constant 0 : index
    %swap3A_168 = vector.load %arg7[%swap3A_166, %swap3A_167] : memref<128x1xi32, #tpu.memory_space<vmem>>, vector<128x1xi32>
    tpu.vector_store %arg7[%swap3A_166, %swap3A_167], %convert_element_type3A_165 {strides = array<i32>} : memref<128x1xi32, #tpu.memory_space<vmem>>, vector<128x1xi32>,
    %convert_element_type3A_169 = arith.extui %gt3A_68 : vector<1x64xi1> to vector<1x64xi32>
    %convert_element_type3A_170 = arith.sitofp %convert_element_type3A_169 : vector<1x64xi32> to vector<1x64xf32>
    %iota3A_171 = tpu.iota {dimensions = array<i32: 0>} : vector<64x64xi32>
    %iota3A_172 = tpu.iota {dimensions = array<i32: 1>} : vector<64x64xi32>
    %le3A_173 = arith.cmpi sle, %iota3A_171, %iota3A_172 : vector<64x64xi32>
    %convert_element_type3A_174 = arith.extui %le3A_173 : vector<64x64xi1> to vector<64x64xi32>
    %convert_element_type3A_175 = arith.sitofp %convert_element_type3A_174 : vector<64x64xi32> to vector<64x64xf32>
    %dot_general3A_176 = arith.constant dense<0.000000e+00> : vector<1x64xf32>
    %dot_general3A_177 = tpu.matmul %convert_element_type3A_170, %convert_element_type3A_175, %dot_general3A_176 {dimension_numbers = #tpu.dot_dimension_numbers<[1], [0], [0], [1], [0, 0, 1, 1], [], []>, precision = #tpu.contract_precision<fp32>, transpose_lhs_hint = false} : vector<1x64xf32>, vector<64x64xf32>, vector<1x64xf32> -> vector<1x64xf32>
    %jit3A_178 = arith.constant 0.000000e+00 : f32
    %broadcast_in_dim3A_179 = vector.shape_cast %dot_general3A_177 : vector<1x64xf32> to vector<1x64xf32>
    %broadcast_in_dim3A_180 = vector.broadcast %broadcast_in_dim3A_179 : vector<1x64xf32> to vector<128x64xf32>
    %broadcast_in_dim3A_181 = vector.broadcast %jit3A_178 : f32 to vector<128x64xf32>
    %select_n3A_182 = arith.select %eq3A_105, %broadcast_in_dim3A_180, %broadcast_in_dim3A_181 : vector<128x64xi1>, vector<128x64xf32>
    %reduce_sum3A_183 = arith.constant dense<0.000000e+00> : vector<128xf32>
    %reduce_sum3A_184 = vector.multi_reduction <add>, %select_n3A_182, %reduce_sum3A_183 [1] : vector<128x64xf32> to vector<128xf32>
    %broadcast_in_dim3A_185 = vector.shape_cast %reduce_sum3A_184 : vector<128xf32> to vector<128x1xf32>
    %sub3A_186 = arith.constant 1.000000e+00 : f32
    %sub3A_187 = vector.broadcast %sub3A_186 : f32 to vector<128x1xf32>
    %sub3A_188 = arith.subf %broadcast_in_dim3A_185, %sub3A_187 : vector<128x1xf32>
    %convert_element_type3A_189 = arith.fptosi %sub3A_188 : vector<128x1xf32> to vector<128x1xi32>
    %swap3A_190 = arith.constant 0 : index
    %swap3A_191 = arith.constant 0 : index
    %swap3A_192 = vector.load %arg8[%swap3A_190, %swap3A_191] : memref<128x1xi32, #tpu.memory_space<vmem>>, vector<128x1xi32>
    tpu.vector_store %arg8[%swap3A_190, %swap3A_191], %convert_element_type3A_189 {strides = array<i32>} : memref<128x1xi32, #tpu.memory_space<vmem>>, vector<128x1xi32>,
    %jit3A_193 = arith.constant 0.000000e+00 : f32
    %broadcast_in_dim3A_194 = vector.shape_cast %dot_general3A_85 : vector<1x64xf32> to vector<1x64xf32>
    %broadcast_in_dim3A_195 = vector.broadcast %broadcast_in_dim3A_194 : vector<1x64xf32> to vector<128x64xf32>
    %broadcast_in_dim3A_196 = vector.broadcast %jit3A_193 : f32 to vector<128x64xf32>
    %select_n3A_197 = arith.select %eq3A_105, %broadcast_in_dim3A_195, %broadcast_in_dim3A_196 : vector<128x64xi1>, vector<128x64xf32>
    %reduce_sum3A_198 = arith.constant dense<0.000000e+00> : vector<128xf32>
    %reduce_sum3A_199 = vector.multi_reduction <add>, %select_n3A_197, %reduce_sum3A_198 [1] : vector<128x64xf32> to vector<128xf32>
    %broadcast_in_dim3A_200 = vector.shape_cast %reduce_sum3A_199 : vector<128xf32> to vector<128x1xf32>
    %eq3A_201 = arith.cmpf oeq, %convert_element_type3A_91, %broadcast_in_dim3A_200 : vector<128x1xf32>
    %and3A = arith.andi %eq3A_201, %lt3A_150 : vector<128x1xi1>
    %convert_element_type3A_202 = arith.extui %and3A : vector<128x1xi1> to vector<128x1xi32>
    %swap3A_203 = arith.constant 0 : index
    %swap3A_204 = arith.constant 0 : index
    %swap3A_205 = vector.load %arg9[%swap3A_203, %swap3A_204] : memref<128x1xi32, #tpu.memory_space<vmem>>, vector<128x1xi32>
    tpu.vector_store %arg9[%swap3A_203, %swap3A_204], %convert_element_type3A_202 {strides = array<i32>} : memref<128x1xi32, #tpu.memory_space<vmem>>, vector<128x1xi32>,
    %iota3A_206 = tpu.iota {dimensions = array<i32: 0>} : vector<64x1xi32>
    %convert_element_type3A_207 = arith.sitofp %iota3A_206 : vector<64x1xi32> to vector<64x1xf32>
    %iota3A_208 = tpu.iota {dimensions = array<i32: 1>} : vector<64x64xi32>
    %convert_element_type3A_209 = arith.sitofp %iota3A_208 : vector<64x64xi32> to vector<64x64xf32>
    %sub3A_210 = arith.constant 1.000000e+00 : f32
    %sub3A_211 = vector.broadcast %sub3A_210 : f32 to vector<1x64xf32>
    %sub3A_212 = arith.subf %dot_general3A_177, %sub3A_211 : vector<1x64xf32>
    %eq3A_213 = vector.broadcast %sub3A_212 : vector<1x64xf32> to vector<64x64xf32>
    %eq3A_214 = vector.broadcast %convert_element_type3A_207 : vector<64x1xf32> to vector<64x64xf32>
    %eq3A_215 = arith.cmpf oeq, %eq3A_213, %eq3A_214 : vector<64x64xf32>
    %gt3A_216 = arith.constant 0.000000e+00 : f32
    %gt3A_217 = vector.broadcast %gt3A_216 : f32 to vector<1x64xf32>
    %gt3A_218 = arith.cmpf ogt, %convert_element_type3A_170, %gt3A_217 : vector<1x64xf32>
    %and3A_219 = vector.broadcast %gt3A_218 : vector<1x64xi1> to vector<64x64xi1>
    %and3A_220 = arith.andi %eq3A_215, %and3A_219 : vector<64x64xi1>
    %jit3A_221 = arith.constant 0.000000e+00 : f32
    %broadcast_in_dim3A_222 = vector.broadcast %jit3A_221 : f32 to vector<64x64xf32>
    %select_n3A_223 = arith.select %and3A_220, %convert_element_type3A_209, %broadcast_in_dim3A_222 : vector<64x64xi1>, vector<64x64xf32>
    %reduce_sum3A_224 = arith.constant dense<0.000000e+00> : vector<64xf32>
    %reduce_sum3A_225 = vector.multi_reduction <add>, %select_n3A_223, %reduce_sum3A_224 [1] : vector<64x64xf32> to vector<64xf32>
    %broadcast_in_dim3A_226 = vector.shape_cast %reduce_sum3A_225 : vector<64xf32> to vector<64x1xf32>
    %convert_element_type3A_227 = arith.fptosi %broadcast_in_dim3A_226 : vector<64x1xf32> to vector<64x1xi32>
    %swap3A_228 = arith.constant 0 : index
    %swap3A_229 = arith.constant 0 : index
    %swap3A_230 = vector.load %arg10[%swap3A_228, %swap3A_229] : memref<64x1xi32, #tpu.memory_space<vmem>>, vector<64x1xi32>
    tpu.vector_store %arg10[%swap3A_228, %swap3A_229], %convert_element_type3A_227 {strides = array<i32>} : memref<64x1xi32, #tpu.memory_space<vmem>>, vector<64x1xi32>,
    %reduce_sum3A_231 = vector.shape_cast %convert_element_type3A_170 : vector<1x64xf32> to vector<1x1x64xf32>
    %reduce_sum3A_232 = arith.constant dense<0.000000e+00> : vector<1xf32>
    %reduce_sum3A_233 = vector.multi_reduction <add>, %reduce_sum3A_231, %reduce_sum3A_232 [1, 2] : vector<1x1x64xf32> to vector<1xf32>
    %reduce_sum3A_234 = vector.shape_cast %reduce_sum3A_233 : vector<1xf32> to vector<1x1x1xf32>
    %reduce_sum3A_235 = vector.extract %reduce_sum3A_234[0, 0, 0] : f32 from vector<1x1x1xf32>
    %iota3A_236 = tpu.iota {dimensions = array<i32: 0>} : vector<8x1xi32>
    %convert_element_type3A_237 = arith.sitofp %iota3A_236 : vector<8x1xi32> to vector<8x1xf32>
    %eq3A_238 = arith.constant 0.000000e+00 : f32
    %eq3A_239 = vector.broadcast %eq3A_238 : f32 to vector<8x1xf32>
    %eq3A_240 = arith.cmpf oeq, %convert_element_type3A_237, %eq3A_239 : vector<8x1xf32>
    %broadcast_in_dim3A_241 = vector.broadcast %add3A_89 : f32 to vector<8x1xf32>
    %broadcast_in_dim3A_242 = vector.broadcast %reduce_sum3A_235 : f32 to vector<8x1xf32>
    %select_n3A_243 = arith.select %eq3A_240, %broadcast_in_dim3A_241, %broadcast_in_dim3A_242 : vector<8x1xi1>, vector<8x1xf32>
    %convert_element_type3A_244 = arith.fptosi %select_n3A_243 : vector<8x1xf32> to vector<8x1xi32>
    %swap3A_245 = arith.constant 0 : index
    %swap3A_246 = arith.constant 0 : index
    %swap3A_247 = vector.load %arg11[%swap3A_245, %swap3A_246] : memref<8x1xi32, #tpu.memory_space<vmem>>, vector<8x1xi32>
    tpu.vector_store %arg11[%swap3A_245, %swap3A_246], %convert_element_type3A_244 {strides = array<i32>} : memref<8x1xi32, #tpu.memory_space<vmem>>, vector<8x1xi32>,
    return
  }
}

module attributes {stable_mosaic.version = 14 : i64} {
  func.func @_gmm_body(%arg0: memref<128xi32, #tpu.memory_space<smem>>, %arg1: memref<128xi32, #tpu.memory_space<smem>>, %arg2: memref<128xi32, #tpu.memory_space<smem>>, %arg3: memref<128xi32, #tpu.memory_space<smem>>, %arg4: memref<128xi32, #tpu.memory_space<smem>>, %arg5: memref<64xi32, #tpu.memory_space<smem>>, %arg6: memref<8xi32, #tpu.memory_space<smem>>, %arg7: memref<2048x896xf32, #tpu.memory_space<any>>, %arg8: memref<64x512x768xf32, #tpu.memory_space<any>>, %arg9: memref<64x512x768xf32, #tpu.memory_space<any>>, %arg10: memref<64x768x512xf32, #tpu.memory_space<any>>, %arg11: memref<2048x768xf32, #tpu.memory_space<vmem>>, %arg12: memref<2048x896xf32, #tpu.memory_space<vmem>>, %arg13: memref<4x512x768xf32, #tpu.memory_space<vmem>>, %arg14: memref<4x512x768xf32, #tpu.memory_space<vmem>>, %arg15: memref<4x768x512xf32, #tpu.memory_space<vmem>>, %arg16: memref<!tpu.dma_semaphore, #tpu.memory_space<semaphore_mem>>, %arg17: memref<4x3x!tpu.dma_semaphore, #tpu.memory_space<semaphore_mem>>) attributes {dimension_semantics = [], scalar_prefetch = 0 : i64, scratch_operands = 6 : i64, tpu.core_type = #tpu.core_type<tc>} {
    %get3A = arith.constant 0 : index
    %get3A_0 = memref.load %arg6[%get3A] : memref<8xi32, #tpu.memory_space<smem>>
    %get3A_1 = arith.constant 1 : index
    %get3A_2 = memref.load %arg6[%get3A_1] : memref<8xi32, #tpu.memory_space<smem>>
    %rem3A = arith.constant 0 : i32
    %rem3A_3 = arith.constant 4 : i32
    %rem3A_4 = arith.remsi %rem3A, %rem3A_3 : i32
    %get3A_5 = arith.constant 0 : index
    %get3A_6 = memref.load %arg5[%get3A_5] : memref<64xi32, #tpu.memory_space<smem>>
    %dma_start3A = arith.constant 0 : i32
    %dma_start3A_7 = tpu.memref_slice %arg17[%rem3A_4, %dma_start3A] : memref<4x3x!tpu.dma_semaphore, #tpu.memory_space<semaphore_mem>> -> memref<1x1x!tpu.dma_semaphore, #tpu.memory_space<semaphore_mem>>
    %dma_start3A_8 = tpu.memref_squeeze %dma_start3A_7 : memref<1x1x!tpu.dma_semaphore, #tpu.memory_space<semaphore_mem>> -> memref<!tpu.dma_semaphore, #tpu.memory_space<semaphore_mem>>
    %dma_start3A_9 = arith.constant 0 : i32
    %dma_start3A_10 = arith.constant 0 : i32
    %dma_start3A_11 = tpu.memref_slice %arg13[%rem3A_4, %dma_start3A_9, %dma_start3A_10] : memref<4x512x768xf32, #tpu.memory_space<vmem>> -> memref<1x512x768xf32, #tpu.memory_space<vmem>>
    %dma_start3A_12 = tpu.memref_squeeze %dma_start3A_11 : memref<1x512x768xf32, #tpu.memory_space<vmem>> -> memref<512x768xf32, #tpu.memory_space<vmem>>
    %dma_start3A_13 = arith.constant 0 : i32
    %dma_start3A_14 = arith.constant 0 : i32
    %dma_start3A_15 = tpu.memref_slice %arg8[%get3A_6, %dma_start3A_13, %dma_start3A_14] : memref<64x512x768xf32, #tpu.memory_space<any>> -> memref<1x512x768xf32, #tpu.memory_space<any>>
    %dma_start3A_16 = tpu.memref_squeeze %dma_start3A_15 : memref<1x512x768xf32, #tpu.memory_space<any>> -> memref<512x768xf32, #tpu.memory_space<any>>
    tpu.enqueue_dma source(%dma_start3A_16 : memref<512x768xf32, #tpu.memory_space<any>>) target(%dma_start3A_12 : memref<512x768xf32, #tpu.memory_space<vmem>>) target_semaphore(%dma_start3A_8 : memref<!tpu.dma_semaphore, #tpu.memory_space<semaphore_mem>>)
    %dma_start3A_17 = arith.constant 1 : i32
    %dma_start3A_18 = tpu.memref_slice %arg17[%rem3A_4, %dma_start3A_17] : memref<4x3x!tpu.dma_semaphore, #tpu.memory_space<semaphore_mem>> -> memref<1x1x!tpu.dma_semaphore, #tpu.memory_space<semaphore_mem>>
    %dma_start3A_19 = tpu.memref_squeeze %dma_start3A_18 : memref<1x1x!tpu.dma_semaphore, #tpu.memory_space<semaphore_mem>> -> memref<!tpu.dma_semaphore, #tpu.memory_space<semaphore_mem>>
    %dma_start3A_20 = arith.constant 0 : i32
    %dma_start3A_21 = arith.constant 0 : i32
    %dma_start3A_22 = tpu.memref_slice %arg14[%rem3A_4, %dma_start3A_20, %dma_start3A_21] : memref<4x512x768xf32, #tpu.memory_space<vmem>> -> memref<1x512x768xf32, #tpu.memory_space<vmem>>
    %dma_start3A_23 = tpu.memref_squeeze %dma_start3A_22 : memref<1x512x768xf32, #tpu.memory_space<vmem>> -> memref<512x768xf32, #tpu.memory_space<vmem>>
    %dma_start3A_24 = arith.constant 0 : i32
    %dma_start3A_25 = arith.constant 0 : i32
    %dma_start3A_26 = tpu.memref_slice %arg9[%get3A_6, %dma_start3A_24, %dma_start3A_25] : memref<64x512x768xf32, #tpu.memory_space<any>> -> memref<1x512x768xf32, #tpu.memory_space<any>>
    %dma_start3A_27 = tpu.memref_squeeze %dma_start3A_26 : memref<1x512x768xf32, #tpu.memory_space<any>> -> memref<512x768xf32, #tpu.memory_space<any>>
    tpu.enqueue_dma source(%dma_start3A_27 : memref<512x768xf32, #tpu.memory_space<any>>) target(%dma_start3A_23 : memref<512x768xf32, #tpu.memory_space<vmem>>) target_semaphore(%dma_start3A_19 : memref<!tpu.dma_semaphore, #tpu.memory_space<semaphore_mem>>)
    %dma_start3A_28 = arith.constant 2 : i32
    %dma_start3A_29 = tpu.memref_slice %arg17[%rem3A_4, %dma_start3A_28] : memref<4x3x!tpu.dma_semaphore, #tpu.memory_space<semaphore_mem>> -> memref<1x1x!tpu.dma_semaphore, #tpu.memory_space<semaphore_mem>>
    %dma_start3A_30 = tpu.memref_squeeze %dma_start3A_29 : memref<1x1x!tpu.dma_semaphore, #tpu.memory_space<semaphore_mem>> -> memref<!tpu.dma_semaphore, #tpu.memory_space<semaphore_mem>>
    %dma_start3A_31 = arith.constant 0 : i32
    %dma_start3A_32 = arith.constant 0 : i32
    %dma_start3A_33 = tpu.memref_slice %arg15[%rem3A_4, %dma_start3A_31, %dma_start3A_32] : memref<4x768x512xf32, #tpu.memory_space<vmem>> -> memref<1x768x512xf32, #tpu.memory_space<vmem>>
    %dma_start3A_34 = tpu.memref_squeeze %dma_start3A_33 : memref<1x768x512xf32, #tpu.memory_space<vmem>> -> memref<768x512xf32, #tpu.memory_space<vmem>>
    %dma_start3A_35 = arith.constant 0 : i32
    %dma_start3A_36 = arith.constant 0 : i32
    %dma_start3A_37 = tpu.memref_slice %arg10[%get3A_6, %dma_start3A_35, %dma_start3A_36] : memref<64x768x512xf32, #tpu.memory_space<any>> -> memref<1x768x512xf32, #tpu.memory_space<any>>
    %dma_start3A_38 = tpu.memref_squeeze %dma_start3A_37 : memref<1x768x512xf32, #tpu.memory_space<any>> -> memref<768x512xf32, #tpu.memory_space<any>>
    tpu.enqueue_dma source(%dma_start3A_38 : memref<768x512xf32, #tpu.memory_space<any>>) target(%dma_start3A_34 : memref<768x512xf32, #tpu.memory_space<vmem>>) target_semaphore(%dma_start3A_30 : memref<!tpu.dma_semaphore, #tpu.memory_space<semaphore_mem>>)
    tpu.enqueue_dma source(%arg7 : memref<2048x896xf32, #tpu.memory_space<any>>) target(%arg12 : memref<2048x896xf32, #tpu.memory_space<vmem>>) target_semaphore(%arg16 : memref<!tpu.dma_semaphore, #tpu.memory_space<semaphore_mem>>)
    %gt3A = arith.constant 1 : i32
    %gt3A_39 = arith.cmpi sgt, %get3A_2, %gt3A : i32
    %convert_element_type3A = arith.extui %gt3A_39 : i1 to i32
    %cond3A = arith.constant 0 : i32
    %cond3A_40 = arith.cmpi ne, %convert_element_type3A, %cond3A : i32
    scf.if %cond3A_40 {
      %rem3A_50 = arith.constant 1 : i32
      %rem3A_51 = arith.constant 4 : i32
      %rem3A_52 = arith.remsi %rem3A_50, %rem3A_51 : i32
      %get3A_53 = arith.constant 1 : index
      %get3A_54 = memref.load %arg5[%get3A_53] : memref<64xi32, #tpu.memory_space<smem>>
      %dma_start3A_55 = arith.constant 0 : i32
      %dma_start3A_56 = tpu.memref_slice %arg17[%rem3A_52, %dma_start3A_55] : memref<4x3x!tpu.dma_semaphore, #tpu.memory_space<semaphore_mem>> -> memref<1x1x!tpu.dma_semaphore, #tpu.memory_space<semaphore_mem>>
      %dma_start3A_57 = tpu.memref_squeeze %dma_start3A_56 : memref<1x1x!tpu.dma_semaphore, #tpu.memory_space<semaphore_mem>> -> memref<!tpu.dma_semaphore, #tpu.memory_space<semaphore_mem>>
      %dma_start3A_58 = arith.constant 0 : i32
      %dma_start3A_59 = arith.constant 0 : i32
      %dma_start3A_60 = tpu.memref_slice %arg13[%rem3A_52, %dma_start3A_58, %dma_start3A_59] : memref<4x512x768xf32, #tpu.memory_space<vmem>> -> memref<1x512x768xf32, #tpu.memory_space<vmem>>
      %dma_start3A_61 = tpu.memref_squeeze %dma_start3A_60 : memref<1x512x768xf32, #tpu.memory_space<vmem>> -> memref<512x768xf32, #tpu.memory_space<vmem>>
      %dma_start3A_62 = arith.constant 0 : i32
      %dma_start3A_63 = arith.constant 0 : i32
      %dma_start3A_64 = tpu.memref_slice %arg8[%get3A_54, %dma_start3A_62, %dma_start3A_63] : memref<64x512x768xf32, #tpu.memory_space<any>> -> memref<1x512x768xf32, #tpu.memory_space<any>>
      %dma_start3A_65 = tpu.memref_squeeze %dma_start3A_64 : memref<1x512x768xf32, #tpu.memory_space<any>> -> memref<512x768xf32, #tpu.memory_space<any>>
      tpu.enqueue_dma source(%dma_start3A_65 : memref<512x768xf32, #tpu.memory_space<any>>) target(%dma_start3A_61 : memref<512x768xf32, #tpu.memory_space<vmem>>) target_semaphore(%dma_start3A_57 : memref<!tpu.dma_semaphore, #tpu.memory_space<semaphore_mem>>)
      %dma_start3A_66 = arith.constant 1 : i32
      %dma_start3A_67 = tpu.memref_slice %arg17[%rem3A_52, %dma_start3A_66] : memref<4x3x!tpu.dma_semaphore, #tpu.memory_space<semaphore_mem>> -> memref<1x1x!tpu.dma_semaphore, #tpu.memory_space<semaphore_mem>>
      %dma_start3A_68 = tpu.memref_squeeze %dma_start3A_67 : memref<1x1x!tpu.dma_semaphore, #tpu.memory_space<semaphore_mem>> -> memref<!tpu.dma_semaphore, #tpu.memory_space<semaphore_mem>>
      %dma_start3A_69 = arith.constant 0 : i32
      %dma_start3A_70 = arith.constant 0 : i32
      %dma_start3A_71 = tpu.memref_slice %arg14[%rem3A_52, %dma_start3A_69, %dma_start3A_70] : memref<4x512x768xf32, #tpu.memory_space<vmem>> -> memref<1x512x768xf32, #tpu.memory_space<vmem>>
      %dma_start3A_72 = tpu.memref_squeeze %dma_start3A_71 : memref<1x512x768xf32, #tpu.memory_space<vmem>> -> memref<512x768xf32, #tpu.memory_space<vmem>>
      %dma_start3A_73 = arith.constant 0 : i32
      %dma_start3A_74 = arith.constant 0 : i32
      %dma_start3A_75 = tpu.memref_slice %arg9[%get3A_54, %dma_start3A_73, %dma_start3A_74] : memref<64x512x768xf32, #tpu.memory_space<any>> -> memref<1x512x768xf32, #tpu.memory_space<any>>
      %dma_start3A_76 = tpu.memref_squeeze %dma_start3A_75 : memref<1x512x768xf32, #tpu.memory_space<any>> -> memref<512x768xf32, #tpu.memory_space<any>>
      tpu.enqueue_dma source(%dma_start3A_76 : memref<512x768xf32, #tpu.memory_space<any>>) target(%dma_start3A_72 : memref<512x768xf32, #tpu.memory_space<vmem>>) target_semaphore(%dma_start3A_68 : memref<!tpu.dma_semaphore, #tpu.memory_space<semaphore_mem>>)
      %dma_start3A_77 = arith.constant 2 : i32
      %dma_start3A_78 = tpu.memref_slice %arg17[%rem3A_52, %dma_start3A_77] : memref<4x3x!tpu.dma_semaphore, #tpu.memory_space<semaphore_mem>> -> memref<1x1x!tpu.dma_semaphore, #tpu.memory_space<semaphore_mem>>
      %dma_start3A_79 = tpu.memref_squeeze %dma_start3A_78 : memref<1x1x!tpu.dma_semaphore, #tpu.memory_space<semaphore_mem>> -> memref<!tpu.dma_semaphore, #tpu.memory_space<semaphore_mem>>
      %dma_start3A_80 = arith.constant 0 : i32
      %dma_start3A_81 = arith.constant 0 : i32
      %dma_start3A_82 = tpu.memref_slice %arg15[%rem3A_52, %dma_start3A_80, %dma_start3A_81] : memref<4x768x512xf32, #tpu.memory_space<vmem>> -> memref<1x768x512xf32, #tpu.memory_space<vmem>>
      %dma_start3A_83 = tpu.memref_squeeze %dma_start3A_82 : memref<1x768x512xf32, #tpu.memory_space<vmem>> -> memref<768x512xf32, #tpu.memory_space<vmem>>
      %dma_start3A_84 = arith.constant 0 : i32
      %dma_start3A_85 = arith.constant 0 : i32
      %dma_start3A_86 = tpu.memref_slice %arg10[%get3A_54, %dma_start3A_84, %dma_start3A_85] : memref<64x768x512xf32, #tpu.memory_space<any>> -> memref<1x768x512xf32, #tpu.memory_space<any>>
      %dma_start3A_87 = tpu.memref_squeeze %dma_start3A_86 : memref<1x768x512xf32, #tpu.memory_space<any>> -> memref<768x512xf32, #tpu.memory_space<any>>
      tpu.enqueue_dma source(%dma_start3A_87 : memref<768x512xf32, #tpu.memory_space<any>>) target(%dma_start3A_83 : memref<768x512xf32, #tpu.memory_space<vmem>>) target_semaphore(%dma_start3A_79 : memref<!tpu.dma_semaphore, #tpu.memory_space<semaphore_mem>>)
    } else {
    }
    %gt3A_41 = arith.constant 2 : i32
    %gt3A_42 = arith.cmpi sgt, %get3A_2, %gt3A_41 : i32
    %convert_element_type3A_43 = arith.extui %gt3A_42 : i1 to i32
    %cond3A_44 = arith.constant 0 : i32
    %cond3A_45 = arith.cmpi ne, %convert_element_type3A_43, %cond3A_44 : i32
    scf.if %cond3A_45 {
      %rem3A_50 = arith.constant 2 : i32
      %rem3A_51 = arith.constant 4 : i32
      %rem3A_52 = arith.remsi %rem3A_50, %rem3A_51 : i32
      %get3A_53 = arith.constant 2 : index
      %get3A_54 = memref.load %arg5[%get3A_53] : memref<64xi32, #tpu.memory_space<smem>>
      %dma_start3A_55 = arith.constant 0 : i32
      %dma_start3A_56 = tpu.memref_slice %arg17[%rem3A_52, %dma_start3A_55] : memref<4x3x!tpu.dma_semaphore, #tpu.memory_space<semaphore_mem>> -> memref<1x1x!tpu.dma_semaphore, #tpu.memory_space<semaphore_mem>>
      %dma_start3A_57 = tpu.memref_squeeze %dma_start3A_56 : memref<1x1x!tpu.dma_semaphore, #tpu.memory_space<semaphore_mem>> -> memref<!tpu.dma_semaphore, #tpu.memory_space<semaphore_mem>>
      %dma_start3A_58 = arith.constant 0 : i32
      %dma_start3A_59 = arith.constant 0 : i32
      %dma_start3A_60 = tpu.memref_slice %arg13[%rem3A_52, %dma_start3A_58, %dma_start3A_59] : memref<4x512x768xf32, #tpu.memory_space<vmem>> -> memref<1x512x768xf32, #tpu.memory_space<vmem>>
      %dma_start3A_61 = tpu.memref_squeeze %dma_start3A_60 : memref<1x512x768xf32, #tpu.memory_space<vmem>> -> memref<512x768xf32, #tpu.memory_space<vmem>>
      %dma_start3A_62 = arith.constant 0 : i32
      %dma_start3A_63 = arith.constant 0 : i32
      %dma_start3A_64 = tpu.memref_slice %arg8[%get3A_54, %dma_start3A_62, %dma_start3A_63] : memref<64x512x768xf32, #tpu.memory_space<any>> -> memref<1x512x768xf32, #tpu.memory_space<any>>
      %dma_start3A_65 = tpu.memref_squeeze %dma_start3A_64 : memref<1x512x768xf32, #tpu.memory_space<any>> -> memref<512x768xf32, #tpu.memory_space<any>>
      tpu.enqueue_dma source(%dma_start3A_65 : memref<512x768xf32, #tpu.memory_space<any>>) target(%dma_start3A_61 : memref<512x768xf32, #tpu.memory_space<vmem>>) target_semaphore(%dma_start3A_57 : memref<!tpu.dma_semaphore, #tpu.memory_space<semaphore_mem>>)
      %dma_start3A_66 = arith.constant 1 : i32
      %dma_start3A_67 = tpu.memref_slice %arg17[%rem3A_52, %dma_start3A_66] : memref<4x3x!tpu.dma_semaphore, #tpu.memory_space<semaphore_mem>> -> memref<1x1x!tpu.dma_semaphore, #tpu.memory_space<semaphore_mem>>
      %dma_start3A_68 = tpu.memref_squeeze %dma_start3A_67 : memref<1x1x!tpu.dma_semaphore, #tpu.memory_space<semaphore_mem>> -> memref<!tpu.dma_semaphore, #tpu.memory_space<semaphore_mem>>
      %dma_start3A_69 = arith.constant 0 : i32
      %dma_start3A_70 = arith.constant 0 : i32
      %dma_start3A_71 = tpu.memref_slice %arg14[%rem3A_52, %dma_start3A_69, %dma_start3A_70] : memref<4x512x768xf32, #tpu.memory_space<vmem>> -> memref<1x512x768xf32, #tpu.memory_space<vmem>>
      %dma_start3A_72 = tpu.memref_squeeze %dma_start3A_71 : memref<1x512x768xf32, #tpu.memory_space<vmem>> -> memref<512x768xf32, #tpu.memory_space<vmem>>
      %dma_start3A_73 = arith.constant 0 : i32
      %dma_start3A_74 = arith.constant 0 : i32
      %dma_start3A_75 = tpu.memref_slice %arg9[%get3A_54, %dma_start3A_73, %dma_start3A_74] : memref<64x512x768xf32, #tpu.memory_space<any>> -> memref<1x512x768xf32, #tpu.memory_space<any>>
      %dma_start3A_76 = tpu.memref_squeeze %dma_start3A_75 : memref<1x512x768xf32, #tpu.memory_space<any>> -> memref<512x768xf32, #tpu.memory_space<any>>
      tpu.enqueue_dma source(%dma_start3A_76 : memref<512x768xf32, #tpu.memory_space<any>>) target(%dma_start3A_72 : memref<512x768xf32, #tpu.memory_space<vmem>>) target_semaphore(%dma_start3A_68 : memref<!tpu.dma_semaphore, #tpu.memory_space<semaphore_mem>>)
      %dma_start3A_77 = arith.constant 2 : i32
      %dma_start3A_78 = tpu.memref_slice %arg17[%rem3A_52, %dma_start3A_77] : memref<4x3x!tpu.dma_semaphore, #tpu.memory_space<semaphore_mem>> -> memref<1x1x!tpu.dma_semaphore, #tpu.memory_space<semaphore_mem>>
      %dma_start3A_79 = tpu.memref_squeeze %dma_start3A_78 : memref<1x1x!tpu.dma_semaphore, #tpu.memory_space<semaphore_mem>> -> memref<!tpu.dma_semaphore, #tpu.memory_space<semaphore_mem>>
      %dma_start3A_80 = arith.constant 0 : i32
      %dma_start3A_81 = arith.constant 0 : i32
      %dma_start3A_82 = tpu.memref_slice %arg15[%rem3A_52, %dma_start3A_80, %dma_start3A_81] : memref<4x768x512xf32, #tpu.memory_space<vmem>> -> memref<1x768x512xf32, #tpu.memory_space<vmem>>
      %dma_start3A_83 = tpu.memref_squeeze %dma_start3A_82 : memref<1x768x512xf32, #tpu.memory_space<vmem>> -> memref<768x512xf32, #tpu.memory_space<vmem>>
      %dma_start3A_84 = arith.constant 0 : i32
      %dma_start3A_85 = arith.constant 0 : i32
      %dma_start3A_86 = tpu.memref_slice %arg10[%get3A_54, %dma_start3A_84, %dma_start3A_85] : memref<64x768x512xf32, #tpu.memory_space<any>> -> memref<1x768x512xf32, #tpu.memory_space<any>>
      %dma_start3A_87 = tpu.memref_squeeze %dma_start3A_86 : memref<1x768x512xf32, #tpu.memory_space<any>> -> memref<768x512xf32, #tpu.memory_space<any>>
      tpu.enqueue_dma source(%dma_start3A_87 : memref<768x512xf32, #tpu.memory_space<any>>) target(%dma_start3A_83 : memref<768x512xf32, #tpu.memory_space<vmem>>) target_semaphore(%dma_start3A_79 : memref<!tpu.dma_semaphore, #tpu.memory_space<semaphore_mem>>)
    } else {
    }
    tpu.wait_dma2 semaphore(%arg16 : memref<!tpu.dma_semaphore, #tpu.memory_space<semaphore_mem>>) src(%arg7 : memref<2048x896xf32, #tpu.memory_space<any>>) dst(%arg12 : memref<2048x896xf32, #tpu.memory_space<vmem>>)
    %scan3A = arith.constant 0 : i32
    %scan3A_46 = arith.constant 79 : i32
    %scan3A_47 = arith.addi %scan3A, %scan3A_46 : i32
    %scan3A_48 = arith.constant 1 : i32
    scf.for %scan3A_50 = %scan3A to %scan3A_47 step %scan3A_48  : i32 {
      %lt3A = arith.cmpi slt, %scan3A_50, %get3A_0 : i32
      %convert_element_type3A_51 = arith.extui %lt3A : i1 to i32
      %cond3A_52 = arith.constant 0 : i32
      %cond3A_53 = arith.cmpi ne, %convert_element_type3A_51, %cond3A_52 : i32
      scf.if %cond3A_53 {
        %get3A_54 = arith.index_cast %scan3A_50 : i32 to index
        %get3A_55 = memref.load %arg3[%get3A_54] : memref<128xi32, #tpu.memory_space<smem>>
        %get3A_56 = arith.index_cast %scan3A_50 : i32 to index
        %get3A_57 = memref.load %arg4[%get3A_56] : memref<128xi32, #tpu.memory_space<smem>>
        %eq3A = arith.constant 1 : i32
        %eq3A_58 = arith.cmpi eq, %get3A_57, %eq3A : i32
        %convert_element_type3A_59 = arith.extui %eq3A_58 : i1 to i32
        %cond3A_60 = arith.constant 0 : i32
        %cond3A_61 = arith.cmpi ne, %convert_element_type3A_59, %cond3A_60 : i32
        scf.if %cond3A_61 {
          %add3A = arith.constant 3 : i32
          %add3A_115 = arith.addi %get3A_55, %add3A : i32
          %lt3A_116 = arith.cmpi slt, %add3A_115, %get3A_2 : i32
          %convert_element_type3A_117 = arith.extui %lt3A_116 : i1 to i32
          %cond3A_118 = arith.constant 0 : i32
          %cond3A_119 = arith.cmpi ne, %convert_element_type3A_117, %cond3A_118 : i32
          scf.if %cond3A_119 {
            %add3A_156 = arith.constant 3 : i32
            %add3A_157 = arith.addi %get3A_55, %add3A_156 : i32
            %rem3A_158 = arith.constant 4 : i32
            %rem3A_159 = arith.remsi %add3A_157, %rem3A_158 : i32
            %get3A_160 = arith.index_cast %add3A_157 : i32 to index
            %get3A_161 = memref.load %arg5[%get3A_160] : memref<64xi32, #tpu.memory_space<smem>>
            %dma_start3A_162 = arith.constant 0 : i32
            %dma_start3A_163 = tpu.memref_slice %arg17[%rem3A_159, %dma_start3A_162] : memref<4x3x!tpu.dma_semaphore, #tpu.memory_space<semaphore_mem>> -> memref<1x1x!tpu.dma_semaphore, #tpu.memory_space<semaphore_mem>>
            %dma_start3A_164 = tpu.memref_squeeze %dma_start3A_163 : memref<1x1x!tpu.dma_semaphore, #tpu.memory_space<semaphore_mem>> -> memref<!tpu.dma_semaphore, #tpu.memory_space<semaphore_mem>>
            %dma_start3A_165 = arith.constant 0 : i32
            %dma_start3A_166 = arith.constant 0 : i32
            %dma_start3A_167 = tpu.memref_slice %arg13[%rem3A_159, %dma_start3A_165, %dma_start3A_166] : memref<4x512x768xf32, #tpu.memory_space<vmem>> -> memref<1x512x768xf32, #tpu.memory_space<vmem>>
            %dma_start3A_168 = tpu.memref_squeeze %dma_start3A_167 : memref<1x512x768xf32, #tpu.memory_space<vmem>> -> memref<512x768xf32, #tpu.memory_space<vmem>>
            %dma_start3A_169 = arith.constant 0 : i32
            %dma_start3A_170 = arith.constant 0 : i32
            %dma_start3A_171 = tpu.memref_slice %arg8[%get3A_161, %dma_start3A_169, %dma_start3A_170] : memref<64x512x768xf32, #tpu.memory_space<any>> -> memref<1x512x768xf32, #tpu.memory_space<any>>
            %dma_start3A_172 = tpu.memref_squeeze %dma_start3A_171 : memref<1x512x768xf32, #tpu.memory_space<any>> -> memref<512x768xf32, #tpu.memory_space<any>>
            tpu.enqueue_dma source(%dma_start3A_172 : memref<512x768xf32, #tpu.memory_space<any>>) target(%dma_start3A_168 : memref<512x768xf32, #tpu.memory_space<vmem>>) target_semaphore(%dma_start3A_164 : memref<!tpu.dma_semaphore, #tpu.memory_space<semaphore_mem>>)
            %dma_start3A_173 = arith.constant 1 : i32
            %dma_start3A_174 = tpu.memref_slice %arg17[%rem3A_159, %dma_start3A_173] : memref<4x3x!tpu.dma_semaphore, #tpu.memory_space<semaphore_mem>> -> memref<1x1x!tpu.dma_semaphore, #tpu.memory_space<semaphore_mem>>
            %dma_start3A_175 = tpu.memref_squeeze %dma_start3A_174 : memref<1x1x!tpu.dma_semaphore, #tpu.memory_space<semaphore_mem>> -> memref<!tpu.dma_semaphore, #tpu.memory_space<semaphore_mem>>
            %dma_start3A_176 = arith.constant 0 : i32
            %dma_start3A_177 = arith.constant 0 : i32
            %dma_start3A_178 = tpu.memref_slice %arg14[%rem3A_159, %dma_start3A_176, %dma_start3A_177] : memref<4x512x768xf32, #tpu.memory_space<vmem>> -> memref<1x512x768xf32, #tpu.memory_space<vmem>>
            %dma_start3A_179 = tpu.memref_squeeze %dma_start3A_178 : memref<1x512x768xf32, #tpu.memory_space<vmem>> -> memref<512x768xf32, #tpu.memory_space<vmem>>
            %dma_start3A_180 = arith.constant 0 : i32
            %dma_start3A_181 = arith.constant 0 : i32
            %dma_start3A_182 = tpu.memref_slice %arg9[%get3A_161, %dma_start3A_180, %dma_start3A_181] : memref<64x512x768xf32, #tpu.memory_space<any>> -> memref<1x512x768xf32, #tpu.memory_space<any>>
            %dma_start3A_183 = tpu.memref_squeeze %dma_start3A_182 : memref<1x512x768xf32, #tpu.memory_space<any>> -> memref<512x768xf32, #tpu.memory_space<any>>
            tpu.enqueue_dma source(%dma_start3A_183 : memref<512x768xf32, #tpu.memory_space<any>>) target(%dma_start3A_179 : memref<512x768xf32, #tpu.memory_space<vmem>>) target_semaphore(%dma_start3A_175 : memref<!tpu.dma_semaphore, #tpu.memory_space<semaphore_mem>>)
            %dma_start3A_184 = arith.constant 2 : i32
            %dma_start3A_185 = tpu.memref_slice %arg17[%rem3A_159, %dma_start3A_184] : memref<4x3x!tpu.dma_semaphore, #tpu.memory_space<semaphore_mem>> -> memref<1x1x!tpu.dma_semaphore, #tpu.memory_space<semaphore_mem>>
            %dma_start3A_186 = tpu.memref_squeeze %dma_start3A_185 : memref<1x1x!tpu.dma_semaphore, #tpu.memory_space<semaphore_mem>> -> memref<!tpu.dma_semaphore, #tpu.memory_space<semaphore_mem>>
            %dma_start3A_187 = arith.constant 0 : i32
            %dma_start3A_188 = arith.constant 0 : i32
            %dma_start3A_189 = tpu.memref_slice %arg15[%rem3A_159, %dma_start3A_187, %dma_start3A_188] : memref<4x768x512xf32, #tpu.memory_space<vmem>> -> memref<1x768x512xf32, #tpu.memory_space<vmem>>
            %dma_start3A_190 = tpu.memref_squeeze %dma_start3A_189 : memref<1x768x512xf32, #tpu.memory_space<vmem>> -> memref<768x512xf32, #tpu.memory_space<vmem>>
            %dma_start3A_191 = arith.constant 0 : i32
            %dma_start3A_192 = arith.constant 0 : i32
            %dma_start3A_193 = tpu.memref_slice %arg10[%get3A_161, %dma_start3A_191, %dma_start3A_192] : memref<64x768x512xf32, #tpu.memory_space<any>> -> memref<1x768x512xf32, #tpu.memory_space<any>>
            %dma_start3A_194 = tpu.memref_squeeze %dma_start3A_193 : memref<1x768x512xf32, #tpu.memory_space<any>> -> memref<768x512xf32, #tpu.memory_space<any>>
            tpu.enqueue_dma source(%dma_start3A_194 : memref<768x512xf32, #tpu.memory_space<any>>) target(%dma_start3A_190 : memref<768x512xf32, #tpu.memory_space<vmem>>) target_semaphore(%dma_start3A_186 : memref<!tpu.dma_semaphore, #tpu.memory_space<semaphore_mem>>)
          } else {
          }
          %rem3A_120 = arith.constant 4 : i32
          %rem3A_121 = arith.remsi %get3A_55, %rem3A_120 : i32
          %get3A_122 = arith.index_cast %get3A_55 : i32 to index
          %get3A_123 = memref.load %arg5[%get3A_122] : memref<64xi32, #tpu.memory_space<smem>>
          %dma_wait3A = arith.constant 0 : i32
          %dma_wait3A_124 = tpu.memref_slice %arg17[%rem3A_121, %dma_wait3A] : memref<4x3x!tpu.dma_semaphore, #tpu.memory_space<semaphore_mem>> -> memref<1x1x!tpu.dma_semaphore, #tpu.memory_space<semaphore_mem>>
          %dma_wait3A_125 = tpu.memref_squeeze %dma_wait3A_124 : memref<1x1x!tpu.dma_semaphore, #tpu.memory_space<semaphore_mem>> -> memref<!tpu.dma_semaphore, #tpu.memory_space<semaphore_mem>>
          %dma_wait3A_126 = arith.constant 0 : i32
          %dma_wait3A_127 = arith.constant 0 : i32
          %dma_wait3A_128 = tpu.memref_slice %arg13[%rem3A_121, %dma_wait3A_126, %dma_wait3A_127] : memref<4x512x768xf32, #tpu.memory_space<vmem>> -> memref<1x512x768xf32, #tpu.memory_space<vmem>>
          %dma_wait3A_129 = tpu.memref_squeeze %dma_wait3A_128 : memref<1x512x768xf32, #tpu.memory_space<vmem>> -> memref<512x768xf32, #tpu.memory_space<vmem>>
          %dma_wait3A_130 = arith.constant 0 : i32
          %dma_wait3A_131 = arith.constant 0 : i32
          %dma_wait3A_132 = tpu.memref_slice %arg8[%get3A_123, %dma_wait3A_130, %dma_wait3A_131] : memref<64x512x768xf32, #tpu.memory_space<any>> -> memref<1x512x768xf32, #tpu.memory_space<any>>
          %dma_wait3A_133 = tpu.memref_squeeze %dma_wait3A_132 : memref<1x512x768xf32, #tpu.memory_space<any>> -> memref<512x768xf32, #tpu.memory_space<any>>
          tpu.wait_dma2 semaphore(%dma_wait3A_125 : memref<!tpu.dma_semaphore, #tpu.memory_space<semaphore_mem>>) src(%dma_wait3A_133 : memref<512x768xf32, #tpu.memory_space<any>>) dst(%dma_wait3A_129 : memref<512x768xf32, #tpu.memory_space<vmem>>)
          %dma_wait3A_134 = arith.constant 1 : i32
          %dma_wait3A_135 = tpu.memref_slice %arg17[%rem3A_121, %dma_wait3A_134] : memref<4x3x!tpu.dma_semaphore, #tpu.memory_space<semaphore_mem>> -> memref<1x1x!tpu.dma_semaphore, #tpu.memory_space<semaphore_mem>>
          %dma_wait3A_136 = tpu.memref_squeeze %dma_wait3A_135 : memref<1x1x!tpu.dma_semaphore, #tpu.memory_space<semaphore_mem>> -> memref<!tpu.dma_semaphore, #tpu.memory_space<semaphore_mem>>
          %dma_wait3A_137 = arith.constant 0 : i32
          %dma_wait3A_138 = arith.constant 0 : i32
          %dma_wait3A_139 = tpu.memref_slice %arg14[%rem3A_121, %dma_wait3A_137, %dma_wait3A_138] : memref<4x512x768xf32, #tpu.memory_space<vmem>> -> memref<1x512x768xf32, #tpu.memory_space<vmem>>
          %dma_wait3A_140 = tpu.memref_squeeze %dma_wait3A_139 : memref<1x512x768xf32, #tpu.memory_space<vmem>> -> memref<512x768xf32, #tpu.memory_space<vmem>>
          %dma_wait3A_141 = arith.constant 0 : i32
          %dma_wait3A_142 = arith.constant 0 : i32
          %dma_wait3A_143 = tpu.memref_slice %arg9[%get3A_123, %dma_wait3A_141, %dma_wait3A_142] : memref<64x512x768xf32, #tpu.memory_space<any>> -> memref<1x512x768xf32, #tpu.memory_space<any>>
          %dma_wait3A_144 = tpu.memref_squeeze %dma_wait3A_143 : memref<1x512x768xf32, #tpu.memory_space<any>> -> memref<512x768xf32, #tpu.memory_space<any>>
          tpu.wait_dma2 semaphore(%dma_wait3A_136 : memref<!tpu.dma_semaphore, #tpu.memory_space<semaphore_mem>>) src(%dma_wait3A_144 : memref<512x768xf32, #tpu.memory_space<any>>) dst(%dma_wait3A_140 : memref<512x768xf32, #tpu.memory_space<vmem>>)
          %dma_wait3A_145 = arith.constant 2 : i32
          %dma_wait3A_146 = tpu.memref_slice %arg17[%rem3A_121, %dma_wait3A_145] : memref<4x3x!tpu.dma_semaphore, #tpu.memory_space<semaphore_mem>> -> memref<1x1x!tpu.dma_semaphore, #tpu.memory_space<semaphore_mem>>
          %dma_wait3A_147 = tpu.memref_squeeze %dma_wait3A_146 : memref<1x1x!tpu.dma_semaphore, #tpu.memory_space<semaphore_mem>> -> memref<!tpu.dma_semaphore, #tpu.memory_space<semaphore_mem>>
          %dma_wait3A_148 = arith.constant 0 : i32
          %dma_wait3A_149 = arith.constant 0 : i32
          %dma_wait3A_150 = tpu.memref_slice %arg15[%rem3A_121, %dma_wait3A_148, %dma_wait3A_149] : memref<4x768x512xf32, #tpu.memory_space<vmem>> -> memref<1x768x512xf32, #tpu.memory_space<vmem>>
          %dma_wait3A_151 = tpu.memref_squeeze %dma_wait3A_150 : memref<1x768x512xf32, #tpu.memory_space<vmem>> -> memref<768x512xf32, #tpu.memory_space<vmem>>
          %dma_wait3A_152 = arith.constant 0 : i32
          %dma_wait3A_153 = arith.constant 0 : i32
          %dma_wait3A_154 = tpu.memref_slice %arg10[%get3A_123, %dma_wait3A_152, %dma_wait3A_153] : memref<64x768x512xf32, #tpu.memory_space<any>> -> memref<1x768x512xf32, #tpu.memory_space<any>>
          %dma_wait3A_155 = tpu.memref_squeeze %dma_wait3A_154 : memref<1x768x512xf32, #tpu.memory_space<any>> -> memref<768x512xf32, #tpu.memory_space<any>>
          tpu.wait_dma2 semaphore(%dma_wait3A_147 : memref<!tpu.dma_semaphore, #tpu.memory_space<semaphore_mem>>) src(%dma_wait3A_155 : memref<768x512xf32, #tpu.memory_space<any>>) dst(%dma_wait3A_151 : memref<768x512xf32, #tpu.memory_space<vmem>>)
        } else {
        }
        %rem3A_62 = arith.constant 4 : i32
        %rem3A_63 = arith.remsi %get3A_55, %rem3A_62 : i32
        %get3A_64 = arith.index_cast %scan3A_50 : i32 to index
        %get3A_65 = memref.load %arg0[%get3A_64] : memref<128xi32, #tpu.memory_space<smem>>
        %mul3A = arith.constant 128 : i32
        %mul3A_66 = arith.muli %get3A_65, %mul3A : i32
        %get3A_67 = arith.index_cast %mul3A_66 : i32 to index
        %get3A_68 = arith.constant 0 : index
        %get3A_69 = vector.load %arg12[%get3A_67, %get3A_68] : memref<2048x896xf32, #tpu.memory_space<vmem>>, vector<128x768xf32>
        %get3A_70 = arith.index_cast %rem3A_63 : i32 to index
        %get3A_71 = arith.constant 0 : index
        %get3A_72 = arith.constant 0 : index
        %get3A_73 = vector.load %arg13[%get3A_70, %get3A_71, %get3A_72] : memref<4x512x768xf32, #tpu.memory_space<vmem>>, vector<1x512x768xf32>
        %get3A_74 = vector.shape_cast %get3A_73 : vector<1x512x768xf32> to vector<512x768xf32>
        %dot_general3A = arith.constant dense<0.000000e+00> : vector<128x512xf32>
        %dot_general3A_75 = tpu.matmul %get3A_69, %get3A_74, %dot_general3A {dimension_numbers = #tpu.dot_dimension_numbers<[1], [1], [0], [0], [0, 0, 1, 0], [], []>, transpose_lhs_hint = false} : vector<128x768xf32>, vector<512x768xf32>, vector<128x512xf32> -> vector<128x512xf32>
        %get3A_76 = arith.index_cast %rem3A_63 : i32 to index
        %get3A_77 = arith.constant 0 : index
        %get3A_78 = arith.constant 0 : index
        %get3A_79 = vector.load %arg14[%get3A_76, %get3A_77, %get3A_78] : memref<4x512x768xf32, #tpu.memory_space<vmem>>, vector<1x512x768xf32>
        %get3A_80 = vector.shape_cast %get3A_79 : vector<1x512x768xf32> to vector<512x768xf32>
        %dot_general3A_81 = arith.constant dense<0.000000e+00> : vector<128x512xf32>
        %dot_general3A_82 = tpu.matmul %get3A_69, %get3A_80, %dot_general3A_81 {dimension_numbers = #tpu.dot_dimension_numbers<[1], [1], [0], [0], [0, 0, 1, 0], [], []>, transpose_lhs_hint = false} : vector<128x768xf32>, vector<512x768xf32>, vector<128x512xf32> -> vector<128x512xf32>
        %logistic3A = arith.negf %dot_general3A_75 : vector<128x512xf32>
        %logistic3A_83 = math.exp %logistic3A : vector<128x512xf32>
        %logistic3A_84 = arith.constant 1.000000e+00 : f32
        %logistic3A_85 = vector.broadcast %logistic3A_84 : f32 to vector<128x512xf32>
        %logistic3A_86 = arith.addf %logistic3A_85, %logistic3A_83 : vector<128x512xf32>
        %logistic3A_87 = arith.divf %logistic3A_85, %logistic3A_86 : vector<128x512xf32>
        %mul3A_88 = arith.mulf %dot_general3A_75, %logistic3A_87 : vector<128x512xf32>
        %mul3A_89 = arith.mulf %mul3A_88, %dot_general3A_82 : vector<128x512xf32>
        %get3A_90 = arith.index_cast %rem3A_63 : i32 to index
        %get3A_91 = arith.constant 0 : index
        %get3A_92 = arith.constant 0 : index
        %get3A_93 = vector.load %arg15[%get3A_90, %get3A_91, %get3A_92] : memref<4x768x512xf32, #tpu.memory_space<vmem>>, vector<1x768x512xf32>
        %get3A_94 = vector.shape_cast %get3A_93 : vector<1x768x512xf32> to vector<768x512xf32>
        %dot_general3A_95 = arith.constant dense<0.000000e+00> : vector<128x768xf32>
        %dot_general3A_96 = tpu.matmul %mul3A_89, %get3A_94, %dot_general3A_95 {dimension_numbers = #tpu.dot_dimension_numbers<[1], [1], [0], [0], [0, 0, 1, 0], [], []>, transpose_lhs_hint = false} : vector<128x512xf32>, vector<768x512xf32>, vector<128x768xf32> -> vector<128x768xf32>
        %get3A_97 = arith.index_cast %mul3A_66 : i32 to index
        %get3A_98 = arith.constant 768 : index
        %get3A_99 = vector.load %arg12[%get3A_97, %get3A_98] : memref<2048x896xf32, #tpu.memory_space<vmem>>, vector<128x1xf32>
        %iota3A = tpu.iota {dimensions = array<i32: 0>} : vector<128x1xi32>
        %get3A_100 = arith.index_cast %scan3A_50 : i32 to index
        %get3A_101 = memref.load %arg1[%get3A_100] : memref<128xi32, #tpu.memory_space<smem>>
        %ge3A = vector.broadcast %get3A_101 : i32 to vector<128x1xi32>
        %ge3A_102 = arith.cmpi sge, %iota3A, %ge3A : vector<128x1xi32>
        %get3A_103 = arith.index_cast %scan3A_50 : i32 to index
        %get3A_104 = memref.load %arg2[%get3A_103] : memref<128xi32, #tpu.memory_space<smem>>
        %lt3A_105 = vector.broadcast %get3A_104 : i32 to vector<128x1xi32>
        %lt3A_106 = arith.cmpi slt, %iota3A, %lt3A_105 : vector<128x1xi32>
        %and3A = arith.andi %ge3A_102, %lt3A_106 : vector<128x1xi1>
        %mul3A_107 = vector.broadcast %get3A_99 : vector<128x1xf32> to vector<128x768xf32>
        %mul3A_108 = arith.mulf %dot_general3A_96, %mul3A_107 : vector<128x768xf32>
        %get3A_109 = arith.index_cast %mul3A_66 : i32 to index
        %get3A_110 = arith.constant 0 : index
        %get3A_111 = vector.load %arg11[%get3A_109, %get3A_110] : memref<2048x768xf32, #tpu.memory_space<vmem>>, vector<128x768xf32>
        %broadcast_in_dim3A = vector.shape_cast %and3A : vector<128x1xi1> to vector<128x1xi1>
        %broadcast_in_dim3A_112 = vector.broadcast %broadcast_in_dim3A : vector<128x1xi1> to vector<128x768xi1>
        %select_n3A = arith.select %broadcast_in_dim3A_112, %mul3A_108, %get3A_111 : vector<128x768xi1>, vector<128x768xf32>
        %swap3A = arith.index_cast %mul3A_66 : i32 to index
        %swap3A_113 = arith.constant 0 : index
        %swap3A_114 = vector.load %arg11[%swap3A, %swap3A_113] : memref<2048x768xf32, #tpu.memory_space<vmem>>, vector<128x768xf32>
        tpu.vector_store %arg11[%swap3A, %swap3A_113], %select_n3A {strides = array<i32>} : memref<2048x768xf32, #tpu.memory_space<vmem>>, vector<128x768xf32>,
      } else {
      }
    }
    %scan3A_49 = arith.constant 79 : i32
    return
  }
}

</mosaic_0001>

<sc_bundles>
// kernel: kernel.6.cloned.1.call-start
scs
__scs_entry_jumppad:
0x0: {  	(pc) =	sbr.rel $0x88, $3  }
0x1: {  	(tag) =	ssettag $0x0;
	lr =	simm.s32 $0x1  }
0x2: {  	[smem:$0x3F9B] =	sst lr;
	_ =	strace $0xD0000000  }
0x3: {  	_ = 	snop  }
0x4: {  	_ = 	snop  }
0x5: {  	_ = 	snop  }
0x6: {  	_ = 	snop  }
0x7: {  	_ = 	snop  }
__scs_overlays_trampoline_lowered:
0x8: {  	[smem:$0x3FAA] =	sst s0  }
0x9: {  	[smem:$0x3FAB] =	sst s1  }
0xa: {  	[smem:$0x3FAC] =	sst s2  }
0xb: {  	[smem:$0x3FAD] =	sst s3  }
0xc: {  	[smem:$0x3FAE] =	sst s4  }
0xd: {  	[smem:$0x3FAF] =	sst s5  }
0xe: {  	[smem:$0x3FB0] =	sst s6  }
0xf: {  	[smem:$0x3FB1] =	sst s7  }
0x10: {  	[smem:$0x3FB2] =	sst s8  }
0x11: {  	[smem:$0x3FB3] =	sst s9;
	s0 =	simm.s32 @!p0 $0x0  }
0x12: {  	s1 =	sld [smem:$0x3F99];
	s0 =	simm.s32 @p0 $0x1  }
0x13: {  	[smem:$0x3FB4] =	sst s0;
	s0 =	simm.s32 @!p1 $0x0  }
0x14: {  	s2 =	sld [smem:$0x3F98];
	s0 =	simm.s32 @p1 $0x1  }
0x15: {  	[smem:$0x3FB5] =	sst s0;
	s0 =	simm.s32 @!p2 $0x0  }
0x16: {  	s3 =	sld [smem:$0x3FDB];
	s0 =	simm.s32 @p2 $0x1  }
0x17: {  	s4 =	simm.s32 $0x1BF5;
	[smem:$0x3FB7] =	sst s0  }
0x18: {  	s0 =	sld [smem:$0x3F9A];
	_ =	swait.ge [sflag:s4], $0x0  }
0x19: {  	s7 =	sld [smem:$0x3F9B]  }
0x1a: {  	s8 =	sadd.s32 $0xFFFFE003, lr  }
0x1b: {  	s9 =	sadd.s32 $0xFFFFFEF7, lr;
	s5 =	simm.s32 $0xFFFFFFFF;
	p2 =	slt.u32 s8, $0xFFFFF086  }
0x1c: {  	p1 =	slt.u32 s9, $0xF7A;
	s5 =	simm.s32 @!p2 $0x0  }
0x1d: {  	s5 =	simm.s32 @p1 $0x1;
	p0 =	seq.s32 s7, s2  }
0x1e: {  	s7 =	smul.u32 @!p0 $0xF7A, s2;
	p2 =	seq.s32 @!p0 s5, $0x0  }
0x1f: {  	s9 =	smul.u32 $0xF7A, s1;
	s8 =	simm.s32 @!p0 $0x1BF5;
	p2 =	por !p2, p0  }
0x20: {  	[sflag:s8] =	ssyncset.s32 @!p0 $0xFFFFF086;
	s6 =	sadd.s32 @!p0 s3, s7;
	s7 =	simm.s32 @!p0 $0x108  }
0x21: {  	s3 =	sadd.s32 s3, s9;
	s6 =	sadd.s32 @!p0 $0x88, s6;
	s7 =	simm.s32 @p2 $0x1082  }
0x22: {  	[simem:s7], [sflag:s8] =	dma.local @!p0 [hbm:s6], $0xF7A  }
0x23: {  	s9 =	sor.u32 $0xD0000000, s2;
	s6 =	simm.s32 $0x108;
	_ =	swait.ge @!p0 [sflag:s8], $0x0  }
0x24: {  	s3 =	sadd.s32 $0x88, s3;
	s6 =	simm.s32 @!p1 $0x1082;
	[sflag:s4] =	ssyncset.s32 $0xFFFFF086  }
0x25: {  	[simem:s6], [sflag:s4] =	dma.local [hbm:s3], $0xF7A  }
0x26: {  	[smem:$0x3F9B] =	sst s1;
	(tag) =	ssettag s2;
	_ =	strace s9  }
0x27: {  	s1 =	sld [smem:$0x3FAB]  }
0x28: {  	s2 =	sld [smem:$0x3FAC]  }
0x29: {  	s4 =	sld [smem:$0x3FAE]  }
0x2a: {  	p0 =	seq.s32 s5, $0x0;
	s5 =	sld [smem:$0x3FAF]  }
0x2b: {  	s6 =	sld [smem:$0x3FB0]  }
0x2c: {  	s7 =	sld [smem:$0x3FB1]  }
0x2d: {  	s3 =	simm.s32 $0x108;
	s8 =	sld [smem:$0x3FB2]  }
0x2e: {  	s3 =	simm.s32 @!p0 $0x1082;
	s9 =	sld [smem:$0x3FB3]  }
0x2f: {  	lr =	sadd.s32 s0, s3;
	s0 =	sld [smem:$0x3FAA]  }
0x30: {  	s3 =	sld [smem:$0x3FAD]  }
0x31: {  	[smem:$0x3FB6] =	sst s10  }
0x32: {  	s10 =	sld [smem:$0x3FB4];
	_ =	sdelay $0x3  }
0x33: {  	p0 =	seq.s32 s10, $0x1;
	s10 =	sld [smem:$0x3FB6];
	_ =	sdelay $0x3  }
0x34: {  	[smem:$0x3FB6] =	sst s10  }
0x35: {  	s10 =	sld [smem:$0x3FB5];
	_ =	sdelay $0x3  }
0x36: {  	p1 =	seq.s32 s10, $0x1;
	s10 =	sld [smem:$0x3FB6];
	_ =	sdelay $0x3  }
0x37: {  	[smem:$0x3FB6] =	sst s10  }
0x38: {  	s10 =	sld [smem:$0x3FB7]  }
0x39: {  	_ = 	snop;
	(pc) =	sbr.ind lr, $3  }
0x3a: {  	_ = 	snop  }
0x3b: {  	_ = 	snop  }
0x3c: {  	p2 =	seq.s32 s10, $0x1;
	s10 =	sld [smem:$0x3FB6]  }
0x3d: {  	_ =	shalt  }
0x3e: {  	_ =	shalt  }
0x3f: {  	_ =	shalt  }
0x40: {  	_ =	shalt  }
0x41: {  	_ =	shalt  }
0x42: {  	_ =	shalt  }
0x43: {  	_ =	shalt  }
0x44: {  	_ =	shalt  }
0x45: {  	_ =	shalt  }
0x46: {  	_ =	shalt  }
0x47: {  	_ =	shalt  }
0x48: {  	_ =	shalt  }
0x49: {  	_ =	shalt  }
0x4a: {  	_ =	shalt  }
0x4b: {  	_ =	shalt  }
0x4c: {  	_ =	shalt  }
0x4d: {  	_ =	shalt  }
0x4e: {  	_ =	shalt  }
0x4f: {  	_ =	shalt  }
0x50: {  	_ =	shalt  }
0x51: {  	_ =	shalt  }
0x52: {  	_ =	shalt  }
0x53: {  	_ =	shalt  }
0x54: {  	_ =	shalt  }
0x55: {  	_ =	shalt  }
0x56: {  	_ =	shalt  }
0x57: {  	_ =	shalt  }
0x58: {  	_ =	shalt  }
0x59: {  	_ =	shalt  }
0x5a: {  	_ =	shalt  }
0x5b: {  	_ =	shalt  }
0x5c: {  	_ =	shalt  }
0x5d: {  	_ =	shalt  }
0x5e: {  	_ =	shalt  }
0x5f: {  	_ =	shalt  }
0x60: {  	_ =	shalt  }
0x61: {  	_ =	shalt  }
0x62: {  	_ =	shalt  }
0x63: {  	_ =	shalt  }
0x64: {  	_ =	shalt  }
0x65: {  	_ =	shalt  }
0x66: {  	_ =	shalt  }
0x67: {  	_ =	shalt  }
0x68: {  	_ =	shalt  }
0x69: {  	_ =	shalt  }
0x6a: {  	_ =	shalt  }
0x6b: {  	_ =	shalt  }
0x6c: {  	_ =	shalt  }
0x6d: {  	_ =	shalt  }
0x6e: {  	_ =	shalt  }
0x6f: {  	_ =	shalt  }
0x70: {  	_ =	shalt  }
0x71: {  	_ =	shalt  }
0x72: {  	_ =	shalt  }
0x73: {  	_ =	shalt  }
0x74: {  	_ =	shalt  }
0x75: {  	_ =	shalt  }
0x76: {  	_ =	shalt  }
0x77: {  	_ =	shalt  }
0x78: {  	_ =	shalt  }
0x79: {  	_ =	shalt  }
0x7a: {  	_ =	shalt  }
0x7b: {  	_ =	shalt  }
0x7c: {  	_ =	shalt  }
0x7d: {  	_ =	shalt  }
0x7e: {  	_ =	shalt  }
0x7f: {  	_ =	shalt  }
0x80: {  	_ =	shalt  }
0x81: {  	_ =	shalt  }
0x82: {  	_ =	shalt  }
0x83: {  	_ =	shalt  }
0x84: {  	_ =	shalt  }
0x85: {  	_ =	shalt  }
0x86: {  	_ =	shalt  }
0x87: {  	_ =	shalt  }
.Lfunc_end0:
.L_simem_size_0:
called_computation_lowered:
.L_overlay_start_0:
0x88: {  	s2 =	sld [smem:$0x3FD9]  }
0x89: {  	s3 =	sld [smem:$0x3FFE];
	_ =	sdelay $0x1  }
0x8a: {  	s1 =	srdreg.scid  }
0x8b: {  	s0 =	sand.u32 $0x1, s1  }
0x8c: {  	s16 =	sshll.u32 s0, $0xA;
	s2 =	sadd.s32 s3, s2  }
0x8d: {  	s2 =	sadd.s32 s2, s16  }
0x8e: {  	[smem:$0x3FC2] =	sst s2  }
0x8f: {  	_ = 	snop  }
0x90: {  	(tm) =	ssettm $0x1  }
0x91: {  	s17 =	sld [smem:$0x3FFB];
	_ =	sdelay $0x3  }
0x92: {  	_ =	strace s17  }
0x93: {  	s2 =	sld [smem:$0x3FFC];
	_ =	sdelay $0x3  }
0x94: {  	_ =	strace s2  }
0x95: {  	s2 =	sld [smem:$0x3FFD];
	_ =	sdelay $0x3  }
0x96: {  	_ =	strace s2  }
0x97: {  	_ =	strace $0x8FFFFFFF  }
0x98: {  	s18 =	sld [smem:$0x3FDB];
	_ =	sdelay $0x1  }
0x99: {  	s19 =	simm.s32 $_scs_section_size  }
0x9a: {  	s4 =	simm.s32 $_size__tile_overlayer_lowered;
	s5 =	simm.s32 $_tile_overlayer_lowered  }
0x9b: {  	s22 =	simm.s32 $0x1BFF;
	s21 =	sshll.u32 s5, $0x1;
	s2 =	sadd.s32 s19, s18  }
0x9c: {  	s6 =	simm.s32 $0x0;
	s20 =	sshll.u32 s4, $0x1;
	s4 =	sadd.s32 s21, s2  }
0x9d: {  	[timem:s6], [sflag:s22] =	dma.local [hbm:s4], s20  }
0x9e: {  	_ =	swait.ge [sflag:s22], s20  }
0x9f: {  	s3 =	ssub.s32 $0x0, s20;
	[sflag:s22] =	ssyncset.done $0x0  }
0xa0: {  	[sflag:s22] =	ssyncadd.s32 s3;
	_ =	sdelay $0x1  }
0xa1: {  	s23 =	simm.s32 $0x1B8B  }
0xa2: {  	_ =	swait.ge [sflag:s23], $0x1  }
0xa3: {  	[sflag:s23] =	ssyncset.done $0x0  }
0xa4: {  	s25 =	simm.s32 $0x1B8E;
	s24 =	sld [smem:$0x3FFE];
	[sflag:s23] =	ssyncadd.s32 $0xFFFFFFFF  }
0xa5: {  	s26 =	simm.s32 $execute0_lowered;
	[smem:$0x3FD2] =	sst s25  }
0xa6: {  	s4 =	sshll.u32 s26, $0x1;
	_ =	strace $0x80000046;
	[dreg:$0x1] =	wrdreg $0xFFFFFFFF  }
0xa7: {  	s28 =	simm.s32 $_size_execute0_lowered;
	s2 =	sadd.s32 s2, s4;
	[dreg:$0x0] =	wrdreg $0x0  }
0xa8: {  	s4 =	sshll.u32 s28, $0x1;
	[dreg:$0x2] =	wrdreg s2  }
0xa9: {  	[dreg:$0x3] =	wrdreg s4  }
0xaa: {  	[dreg:$0x4] =	wrdreg $0xC0  }
0xab: {  	_ =	task [dreg:s6], $0x5FFFF  }
0xac: {  	[dreg:$0x1] =	wrdreg $0xFFFFFFFF  }
0xad: {  	[dreg:$0x0] =	wrdreg $0x60  }
0xae: {  	[dreg:$0x2] =	wrdreg s24  }
0xaf: {  	[dreg:$0x3] =	wrdreg $0x9  }
0xb0: {  	_ =	task.clear_ibuf [dreg:s6], $0x4FFFF;
	_ =	strace $0x90000046  }
0xb1: {  	s29 =	simm.s32 $0x9;
	_ =	strace $0x80000048  }
0xb2: {  	_ =	swait.ge [sflag:s29], $0x1  }
0xb3: {  	[sflag:s29] =	ssyncadd.s32 $0xFFFFFFFF  }
0xb4: {  	_ =	strace $0x90000048  }
0xb5: {  	_ =	sfence  }
0xb6: {  	s30 =	sld [smem:$0x0];
	_ =	sdelay $0x2  }
0xb7: {  	s31 =	sshll.u32 s1, $0xD;
	s1 =	sshrl.u32 s1, $0x2  }
0xb8: {  	s3 =	sand.u32 $0x4000, s31;
	s1 =	sadd.s32 s1, s30  }
0xb9: {  	s0 =	sor.u32 s3, s0;
	s1 =	sshll.u32 s1, $0x11  }
0xba: {  	s0 =	sor.u32 s1, s0  }
0xbb: {  	s0 =	sadd.s32 $0x8F2B, s0  }
0xbc: {  	[sflag:s0] =	ssyncadd.remote.s32 $0x1  }
0xbd: {  	_ =	sfence.sel $0xFFFF  }
0xbe: {  	[dreg:$0x0] =	wrdreg $0xFFFFFFFF;
	(pc) =	sbr.abs _section_cstart, $3  }
0xbf: {  	[dreg:$0x1] =	wrdreg $0xFFFFFFFF  }
0xc0: {  	_ =	task.clear_ibuf [dreg:s6], $0x2FFFF;
	_ =	strace $0x9FFFFFFF  }
0xc1: {  	(tm) =	ssettm $0x7FFFFFFF  }
tec
execute0_lowered:
.L_overlay_start_1:
0x0: {  	(tag) =	ssettag $0x1  }
0x1: {  	s1 =	srdreg.scid  }
0x2: {  	s0 =	stileid.u32;
	s6 =	rddreg [dreg:$0x0];
	s2 =	simm.s32 $0x0  }
0x3: {  	s19 =	simm.s32 $0x880;
	s20 =	simm.s32 $0x1080;
	s21 =	simm.s32 $0x1880  }
0x4: {  	s22 =	simm.s32 $0x1C80;
	s23 =	simm.s32 $0x2480;
	s7 =	simm.s32 $0x2C80  }
0x5: {  	s24 =	simm.s32 $0x3480;
	s8 =	simm.s32 $0x3880;
	s25 =	simm.s32 $0x4080  }
0x6: {  	s26 =	simm.s32 $0x4880;
	s9 =	simm.s32 $0x80;
	[smem:$0x7FF] =	sst s2  }
0x7: {  	s11 =	simm.s32 $0x5480;
	_ =	strace $0x80000047;
	[dreg:$0x4] =	wrdreg s19  }
0x8: {  	s12 =	simm.s32 $0x5C80;
	s13 =	simm.s32 $0x6480;
	[dreg:$0x5] =	wrdreg s20  }
0x9: {  	s14 =	simm.s32 $0x6C80;
	s15 =	simm.s32 $0x7080;
	[dreg:$0x6] =	wrdreg s21  }
0xa: {  	s16 =	simm.s32 $0x7880;
	s17 =	simm.s32 $0x8080;
	[dreg:$0x7] =	wrdreg s22  }
0xb: {  	s18 =	simm.s32 $0x8880;
	s28 =	simm.s32 $0xC480;
	[dreg:$0x8] =	wrdreg s23  }
0xc: {  	s29 =	simm.s32 $0xCC80;
	s30 =	simm.s32 $0xD480;
	[dreg:$0x9] =	wrdreg s7  }
0xd: {  	s31 =	simm.s32 $0xDC80;
	s1 =	sand.u32 $0x1, s1;
	[dreg:$0xa] =	wrdreg s24  }
0xe: {  	s3 =	sshll.u32 s0, $0x4;
	s4 =	sshll.u32 s1, $0x3;
	[dreg:$0xb] =	wrdreg s8  }
0xf: {  	s1 =	ssub.s32 $0x2, s1;
	s8 =	simm.s32 $0x2;
	[dreg:$0xc] =	wrdreg s25  }
0x10: {  	[dreg:$0xd] =	wrdreg s26;
	s19 =	simm.s32 $0x8C80;
	s20 =	simm.s32 $0x9480  }
0x11: {  	s21 =	simm.s32 $0x9C80;
	s22 =	simm.s32 $0xA480;
	s23 =	simm.s32 $0xA880  }
0x12: {  	s24 =	simm.s32 $0xB080;
	s25 =	simm.s32 $0xB880;
	s3 =	sor.u32 s4, s3  }
0x13: {  	s26 =	simm.s32 $0xC080;
	s5 =	sshrl.u32 s1, $0x1;
	s4 =	sadd.s32 s3, s6  }
0x14: {  	s3 =	smul.u32 $0x380, s3;
	s1 =	ssub.s32 s1, s5;
	s5 =	sadd.s32 $0x38400, s6  }
0x15: {  	v2 =	vlaneseq.u32;
	s4 =	sadd.s32 $0x38000, s4;
	s7 =	smax.u32 s1, $0x1;
	s1 =	simm.s32 $0x1  }
0x16: {  	vm0 =	vmmov $0xffff;
	vm1 =	vmmov $0xff;
	v1 =	vshrl.u32 v2, $0x3;
	[dreg:$0x2] =	wrdreg s4;
	s3 =	sadd.s32 s6, s3;
	s4 =	sadd.s32 $0x38300, s6  }
0x17: {  	v0 =	vand.u32 $0x7, v2;
	v2 =	vor.u32 $0x8, v2;
	v1 =	vmul.u32 $0x8, v1;
	[dreg:$0x3] =	wrdreg s3;
	s3 =	sadd.s32 $0x38200, s6;
	s6 =	sadd.s32 $0x38500, s6  }
.LBB2_1:
0x18: {  	s0 =	rddreg [dreg:$0x2]  }
0x19: {  	[tilespmem:s2], [sflag:$0x2] =	stream.linear.gather [hbm4b:s0+s2], $0x40, $0x38;
	[tilespmem:$0xE080] =	vst v63  }
0x1a: {  	_ =	swait.ge [sflag:s8], $0x40  }
0x1b: {  	[sflag:s8] =	ssyncset.done $0x0  }
0x1c: {  	s10 =	rddreg [dreg:$0x3];
	[sflag:s8] =	ssyncadd.s32 $0xFFFFFFC0  }
0x1d: {  	[tilespmem:s9], [sflag:$0x2] =	stream.linear.gather [hbm4b:s10+s2], $0xE000, $0x38;
	[tilespmem:$0xE080] =	vst v63  }
0x1e: {  	_ =	swait.ge [sflag:s8], $0xE000  }
0x1f: {  	[sflag:s8] =	ssyncset.done $0x0  }
0x20: {  	[sflag:s8] =	ssyncadd.s32 $0xFFFF2000  }
0x21: {  	v3 =	vld [tilespmem:$0x0];
	_ =	sdelay $0x4  }
0x22: {  	v4 =	vshrl.u32 v3, $0x3  }
0x23: {  	v4 =	vmul.u32 $0x38, v4  }
0x24: {  	v3 =	vand.u32 $0x7, v3  }
0x25: {  	v3 =	vor.u32 v3, v4  }
0x26: {  	v4 =	vperm.xlane v3, v0;
	_ =	sdelay $0x1  }
0x27: {  	v4 =	vadd.s32 v1, v4;
	_ =	sdelay $0x4  }
0x28: {  	[hbm4b:s3+s2] =	stream.indirect_vreg.scatter [tilespmem:s9], [sflag:$0x1], $0x80, v4, vm0, $0xb8;
	[tilespmem:$0xE080] =	vst v63  }
0x29: {  	s0 =	rddreg [dreg:$0x4];
	v3 =	vperm.xlane v3, v2  }
0x2a: {  	[hbm4b:s4+s2] =	stream.indirect_vreg.scatter [tilespmem:s0], [sflag:$0x1], $0x80, v4, vm0, $0xb8;
	[tilespmem:$0xE080] =	vst v63  }
0x2b: {  	s10 =	rddreg [dreg:$0x5];
	v3 =	vadd.s32 v1, v3  }
0x2c: {  	[hbm4b:s5+s2] =	stream.indirect_vreg.scatter [tilespmem:s10], [sflag:$0x1], $0x80, v4, vm0, $0xb8;
	[tilespmem:$0xE080] =	vst v63  }
0x2d: {  	s0 =	rddreg [dreg:$0x6]  }
0x2e: {  	[hbm4b:s6+s2] =	stream.indirect_vreg.scatter [tilespmem:s0], [sflag:$0x1], $0x80, v4, vm1, $0xb8;
	[tilespmem:$0xE080] =	vst v63  }
0x2f: {  	s10 =	rddreg [dreg:$0x7]  }
0x30: {  	[hbm4b:s3+s2] =	stream.indirect_vreg.scatter [tilespmem:s10], [sflag:$0x1], $0x80, v3, vm0, $0xb8;
	[tilespmem:$0xE080] =	vst v63  }
0x31: {  	s0 =	rddreg [dreg:$0x8]  }
0x32: {  	[hbm4b:s4+s2] =	stream.indirect_vreg.scatter [tilespmem:s0], [sflag:$0x1], $0x80, v3, vm0, $0xb8;
	[tilespmem:$0xE080] =	vst v63  }
0x33: {  	s10 =	rddreg [dreg:$0x9]  }
0x34: {  	[hbm4b:s5+s2] =	stream.indirect_vreg.scatter [tilespmem:s10], [sflag:$0x1], $0x80, v3, vm0, $0xb8;
	[tilespmem:$0xE080] =	vst v63  }
0x35: {  	s0 =	rddreg [dreg:$0xa]  }
0x36: {  	[hbm4b:s6+s2] =	stream.indirect_vreg.scatter [tilespmem:s0], [sflag:$0x1], $0x80, v3, vm1, $0xb8;
	[tilespmem:$0xE080] =	vst v63  }
0x37: {  	v3 =	vld [tilespmem:$0x10];
	_ =	sdelay $0x4  }
0x38: {  	v61 =	vshrl.u32 v3, $0x3  }
0x39: {  	v4 =	vmul.u32 $0x38, v61  }
0x3a: {  	v3 =	vand.u32 $0x7, v3  }
0x3b: {  	v3 =	vor.u32 v3, v4  }
0x3c: {  	v4 =	vperm.xlane v3, v0;
	_ =	sdelay $0x1  }
0x3d: {  	v4 =	vadd.s32 v1, v4;
	_ =	sdelay $0x3  }
0x3e: {  	s0 =	rddreg [dreg:$0xb]  }
0x3f: {  	[hbm4b:s3+s2] =	stream.indirect_vreg.scatter [tilespmem:s0], [sflag:$0x1], $0x80, v4, vm0, $0xb8;
	[tilespmem:$0xE080] =	vst v63  }
0x40: {  	s10 =	rddreg [dreg:$0xc];
	v3 =	vperm.xlane v3, v2  }
0x41: {  	[hbm4b:s4+s2] =	stream.indirect_vreg.scatter [tilespmem:s10], [sflag:$0x1], $0x80, v4, vm0, $0xb8;
	[tilespmem:$0xE080] =	vst v63  }
0x42: {  	v3 =	vadd.s32 v1, v3;
	s0 =	rddreg [dreg:$0xd]  }
0x43: {  	[hbm4b:s5+s2] =	stream.indirect_vreg.scatter [tilespmem:s0], [sflag:$0x1], $0x80, v4, vm0, $0xb8;
	[tilespmem:$0xE080] =	vst v63  }
0x44: {  	s10 =	simm.s32 $0x5080  }
0x45: {  	[hbm4b:s6+s2] =	stream.indirect_vreg.scatter [tilespmem:s10], [sflag:$0x1], $0x80, v4, vm1, $0xb8;
	[tilespmem:$0xE080] =	vst v63  }
0x46: {  	_ = 	snop  }
0x47: {  	[hbm4b:s3+s2] =	stream.indirect_vreg.scatter [tilespmem:s11], [sflag:$0x1], $0x80, v3, vm0, $0xb8;
	[tilespmem:$0xE080] =	vst v63  }
0x48: {  	_ = 	snop  }
0x49: {  	[hbm4b:s4+s2] =	stream.indirect_vreg.scatter [tilespmem:s12], [sflag:$0x1], $0x80, v3, vm0, $0xb8;
	[tilespmem:$0xE080] =	vst v63  }
0x4a: {  	_ = 	snop  }
0x4b: {  	[hbm4b:s5+s2] =	stream.indirect_vreg.scatter [tilespmem:s13], [sflag:$0x1], $0x80, v3, vm0, $0xb8;
	[tilespmem:$0xE080] =	vst v63  }
0x4c: {  	_ = 	snop  }
0x4d: {  	[hbm4b:s6+s2] =	stream.indirect_vreg.scatter [tilespmem:s14], [sflag:$0x1], $0x80, v3, vm1, $0xb8;
	[tilespmem:$0xE080] =	vst v63  }
0x4e: {  	v3 =	vld [tilespmem:$0x20];
	_ =	sdelay $0x4  }
0x4f: {  	v62 =	vshrl.u32 v3, $0x3  }
0x50: {  	v4 =	vmul.u32 $0x38, v62  }
0x51: {  	v3 =	vand.u32 $0x7, v3  }
0x52: {  	v3 =	vor.u32 v3, v4  }
0x53: {  	v4 =	vperm.xlane v3, v0;
	_ =	sdelay $0x1  }
0x54: {  	v4 =	vadd.s32 v1, v4;
	_ =	sdelay $0x4  }
0x55: {  	[hbm4b:s3+s2] =	stream.indirect_vreg.scatter [tilespmem:s15], [sflag:$0x1], $0x80, v4, vm0, $0xb8;
	[tilespmem:$0xE080] =	vst v63  }
0x56: {  	v3 =	vperm.xlane v3, v2  }
0x57: {  	[hbm4b:s4+s2] =	stream.indirect_vreg.scatter [tilespmem:s16], [sflag:$0x1], $0x80, v4, vm0, $0xb8;
	[tilespmem:$0xE080] =	vst v63  }
0x58: {  	v3 =	vadd.s32 v1, v3  }
0x59: {  	[hbm4b:s5+s2] =	stream.indirect_vreg.scatter [tilespmem:s17], [sflag:$0x1], $0x80, v4, vm0, $0xb8;
	[tilespmem:$0xE080] =	vst v63  }
0x5a: {  	_ = 	snop  }
0x5b: {  	[hbm4b:s6+s2] =	stream.indirect_vreg.scatter [tilespmem:s18], [sflag:$0x1], $0x80, v4, vm1, $0xb8;
	[tilespmem:$0xE080] =	vst v63  }
0x5c: {  	_ = 	snop  }
0x5d: {  	[hbm4b:s3+s2] =	stream.indirect_vreg.scatter [tilespmem:s19], [sflag:$0x1], $0x80, v3, vm0, $0xb8;
	[tilespmem:$0xE080] =	vst v63  }
0x5e: {  	_ = 	snop  }
0x5f: {  	[hbm4b:s4+s2] =	stream.indirect_vreg.scatter [tilespmem:s20], [sflag:$0x1], $0x80, v3, vm0, $0xb8;
	[tilespmem:$0xE080] =	vst v63  }
0x60: {  	_ = 	snop  }
0x61: {  	[hbm4b:s5+s2] =	stream.indirect_vreg.scatter [tilespmem:s21], [sflag:$0x1], $0x80, v3, vm0, $0xb8;
	[tilespmem:$0xE080] =	vst v63  }
0x62: {  	_ = 	snop  }
0x63: {  	[hbm4b:s6+s2] =	stream.indirect_vreg.scatter [tilespmem:s22], [sflag:$0x1], $0x80, v3, vm1, $0xb8;
	[tilespmem:$0xE080] =	vst v63  }
0x64: {  	v3 =	vld [tilespmem:$0x30];
	_ =	sdelay $0x4  }
0x65: {  	v63 =	vshrl.u32 v3, $0x3  }
0x66: {  	v4 =	vmul.u32 $0x38, v63  }
0x67: {  	v3 =	vand.u32 $0x7, v3  }
0x68: {  	v3 =	vor.u32 v3, v4  }
0x69: {  	v4 =	vperm.xlane v3, v0;
	_ =	sdelay $0x1  }
0x6a: {  	v4 =	vadd.s32 v1, v4;
	_ =	sdelay $0x4  }
0x6b: {  	[hbm4b:s3+s2] =	stream.indirect_vreg.scatter [tilespmem:s23], [sflag:$0x1], $0x80, v4, vm0, $0xb8;
	[tilespmem:$0xE080] =	vst v63  }
0x6c: {  	v3 =	vperm.xlane v3, v2  }
0x6d: {  	[hbm4b:s4+s2] =	stream.indirect_vreg.scatter [tilespmem:s24], [sflag:$0x1], $0x80, v4, vm0, $0xb8;
	[tilespmem:$0xE080] =	vst v63  }
0x6e: {  	v3 =	vadd.s32 v1, v3  }
0x6f: {  	[hbm4b:s5+s2] =	stream.indirect_vreg.scatter [tilespmem:s25], [sflag:$0x1], $0x80, v4, vm0, $0xb8;
	[tilespmem:$0xE080] =	vst v63  }
0x70: {  	_ = 	snop  }
0x71: {  	[hbm4b:s6+s2] =	stream.indirect_vreg.scatter [tilespmem:s26], [sflag:$0x1], $0x80, v4, vm1, $0xb8;
	[tilespmem:$0xE080] =	vst v63  }
0x72: {  	_ = 	snop  }
0x73: {  	[hbm4b:s3+s2] =	stream.indirect_vreg.scatter [tilespmem:s28], [sflag:$0x1], $0x80, v3, vm0, $0xb8;
	[tilespmem:$0xE080] =	vst v63  }
0x74: {  	_ = 	snop  }
0x75: {  	[hbm4b:s4+s2] =	stream.indirect_vreg.scatter [tilespmem:s29], [sflag:$0x1], $0x80, v3, vm0, $0xb8;
	[tilespmem:$0xE080] =	vst v63  }
0x76: {  	p0 =	sne.s32 s7, $0x1  }
0x77: {  	[hbm4b:s5+s2] =	stream.indirect_vreg.scatter [tilespmem:s30], [sflag:$0x1], $0x80, v3, vm0, $0xb8;
	[tilespmem:$0xE080] =	vst v63  }
.Ltmp0:
0x78: {  	_ = 	snop;
	(pc) =	sbr.rel @p0 .LBB2_1-.Ltmp0, $4  }
0x79: {  	[hbm4b:s6+s2] =	stream.indirect_vreg.scatter [tilespmem:s31], [sflag:$0x1], $0x80, v3, vm1, $0xb8;
	[tilespmem:$0xE080] =	vst v63  }
0x7a: {  	_ =	swait.ge [sflag:s1], $0xE000  }
0x7b: {  	[sflag:s1] =	ssyncset.done $0x0  }
0x7c: {  	s7 =	sadd.s32 $0xFFFFFFFF, s7;
	[sflag:s1] =	ssyncadd.s32 $0xFFFF2000  }
0x7d: {  	_ =	sfence.sel $0x180000  }
0x7e: {  	[bflag:$0x0] =	sbarrier.arrive $0xFFFF  }
0x7f: {  	_ =	strace $0x90000047  }
0x80: {  	s0 =	stileid.u32;
	[bflag:$0x2] =	sbarrier.arrive $0xFFFF  }
0x81: {  	p0 =	sne.s32 s0, $0x0;
	s0 =	rddreg [dreg:$0x1]  }
0x82: {  	s0 =	sadd.s32 @!p0 $0x100000, s0  }
0x83: {  	[sflag:s0] =	ssyncadd.tile.s32 @!p0 $0x1;
	_ =	shalt  }
.Lfunc_end2:
_tile_overlayer_lowered:
.L_overlay_start_2:
0x84: {  	(tag) =	ssettag $0x2  }
0x85: {  	s0 =	rddreg [dreg:$0x0];
	s2 =	stileid.u32  }
0x86: {  	s1 =	rddreg [dreg:$0x1];
	p0 =	sne.s32 s2, $0x0  }
0x87: {  	s3 =	rddreg [dreg:$0x2];
	[bflag:$0x3] =	sbarrier.arrive $0xFFFF;
	s2 =	simm.s32 @!p0 $0x1C02  }
0x88: {  	[timem:s3], [sflag:s2] =	dma.local @!p0 [hbm:s0], s1  }
0x89: {  	s0 =	simm.s32 @!p0 $0x2  }
0x8a: {  	_ =	swait.ge @!p0 [sflag:s0], s1  }
0x8b: {  	s1 =	ssub.s32 @!p0 $0x0, s1;
	[sflag:s0] =	ssyncset.done @!p0 $0x0  }
0x8c: {  	[sflag:s0] =	ssyncadd.s32 @!p0 s1  }
0x8d: {  	[bflag:$0x3] =	sbarrier.arrive $0xFFFF  }
0x8e: {  	_ =	shalt  }

// kernel: kernel.9.cloned.1.call-start
scs
__scs_entry_jumppad:
0x0: {  	(pc) =	sbr.rel $0x88, $3  }
0x1: {  	(tag) =	ssettag $0x0;
	lr =	simm.s32 $0x1  }
0x2: {  	[smem:$0x3F9B] =	sst lr;
	_ =	strace $0xD0000000  }
0x3: {  	_ = 	snop  }
0x4: {  	_ = 	snop  }
0x5: {  	_ = 	snop  }
0x6: {  	_ = 	snop  }
0x7: {  	_ = 	snop  }
__scs_overlays_trampoline_lowered:
0x8: {  	[smem:$0x3FAA] =	sst s0  }
0x9: {  	[smem:$0x3FAB] =	sst s1  }
0xa: {  	[smem:$0x3FAC] =	sst s2  }
0xb: {  	[smem:$0x3FAD] =	sst s3  }
0xc: {  	[smem:$0x3FAE] =	sst s4  }
0xd: {  	[smem:$0x3FAF] =	sst s5  }
0xe: {  	[smem:$0x3FB0] =	sst s6  }
0xf: {  	[smem:$0x3FB1] =	sst s7  }
0x10: {  	[smem:$0x3FB2] =	sst s8  }
0x11: {  	[smem:$0x3FB3] =	sst s9;
	s0 =	simm.s32 @!p0 $0x0  }
0x12: {  	s1 =	sld [smem:$0x3F99];
	s0 =	simm.s32 @p0 $0x1  }
0x13: {  	[smem:$0x3FB4] =	sst s0;
	s0 =	simm.s32 @!p1 $0x0  }
0x14: {  	s2 =	sld [smem:$0x3F98];
	s0 =	simm.s32 @p1 $0x1  }
0x15: {  	[smem:$0x3FB5] =	sst s0;
	s0 =	simm.s32 @!p2 $0x0  }
0x16: {  	s3 =	sld [smem:$0x3FDB];
	s0 =	simm.s32 @p2 $0x1  }
0x17: {  	s4 =	simm.s32 $0x1BF5;
	[smem:$0x3FB7] =	sst s0  }
0x18: {  	s0 =	sld [smem:$0x3F9A];
	_ =	swait.ge [sflag:s4], $0x0  }
0x19: {  	s7 =	sld [smem:$0x3F9B]  }
0x1a: {  	s8 =	sadd.s32 $0xFFFFE003, lr  }
0x1b: {  	s9 =	sadd.s32 $0xFFFFFEF7, lr;
	s5 =	simm.s32 $0xFFFFFFFF;
	p2 =	slt.u32 s8, $0xFFFFF086  }
0x1c: {  	p1 =	slt.u32 s9, $0xF7A;
	s5 =	simm.s32 @!p2 $0x0  }
0x1d: {  	s5 =	simm.s32 @p1 $0x1;
	p0 =	seq.s32 s7, s2  }
0x1e: {  	s7 =	smul.u32 @!p0 $0xF7A, s2;
	p2 =	seq.s32 @!p0 s5, $0x0  }
0x1f: {  	s9 =	smul.u32 $0xF7A, s1;
	s8 =	simm.s32 @!p0 $0x1BF5;
	p2 =	por !p2, p0  }
0x20: {  	[sflag:s8] =	ssyncset.s32 @!p0 $0xFFFFF086;
	s6 =	sadd.s32 @!p0 s3, s7;
	s7 =	simm.s32 @!p0 $0x108  }
0x21: {  	s3 =	sadd.s32 s3, s9;
	s6 =	sadd.s32 @!p0 $0x88, s6;
	s7 =	simm.s32 @p2 $0x1082  }
0x22: {  	[simem:s7], [sflag:s8] =	dma.local @!p0 [hbm:s6], $0xF7A  }
0x23: {  	s9 =	sor.u32 $0xD0000000, s2;
	s6 =	simm.s32 $0x108;
	_ =	swait.ge @!p0 [sflag:s8], $0x0  }
0x24: {  	s3 =	sadd.s32 $0x88, s3;
	s6 =	simm.s32 @!p1 $0x1082;
	[sflag:s4] =	ssyncset.s32 $0xFFFFF086  }
0x25: {  	[simem:s6], [sflag:s4] =	dma.local [hbm:s3], $0xF7A  }
0x26: {  	[smem:$0x3F9B] =	sst s1;
	(tag) =	ssettag s2;
	_ =	strace s9  }
0x27: {  	s1 =	sld [smem:$0x3FAB]  }
0x28: {  	s2 =	sld [smem:$0x3FAC]  }
0x29: {  	s4 =	sld [smem:$0x3FAE]  }
0x2a: {  	p0 =	seq.s32 s5, $0x0;
	s5 =	sld [smem:$0x3FAF]  }
0x2b: {  	s6 =	sld [smem:$0x3FB0]  }
0x2c: {  	s7 =	sld [smem:$0x3FB1]  }
0x2d: {  	s3 =	simm.s32 $0x108;
	s8 =	sld [smem:$0x3FB2]  }
0x2e: {  	s3 =	simm.s32 @!p0 $0x1082;
	s9 =	sld [smem:$0x3FB3]  }
0x2f: {  	lr =	sadd.s32 s0, s3;
	s0 =	sld [smem:$0x3FAA]  }
0x30: {  	s3 =	sld [smem:$0x3FAD]  }
0x31: {  	[smem:$0x3FB6] =	sst s10  }
0x32: {  	s10 =	sld [smem:$0x3FB4];
	_ =	sdelay $0x3  }
0x33: {  	p0 =	seq.s32 s10, $0x1;
	s10 =	sld [smem:$0x3FB6];
	_ =	sdelay $0x3  }
0x34: {  	[smem:$0x3FB6] =	sst s10  }
0x35: {  	s10 =	sld [smem:$0x3FB5];
	_ =	sdelay $0x3  }
0x36: {  	p1 =	seq.s32 s10, $0x1;
	s10 =	sld [smem:$0x3FB6];
	_ =	sdelay $0x3  }
0x37: {  	[smem:$0x3FB6] =	sst s10  }
0x38: {  	s10 =	sld [smem:$0x3FB7]  }
0x39: {  	_ = 	snop;
	(pc) =	sbr.ind lr, $3  }
0x3a: {  	_ = 	snop  }
0x3b: {  	_ = 	snop  }
0x3c: {  	p2 =	seq.s32 s10, $0x1;
	s10 =	sld [smem:$0x3FB6]  }
0x3d: {  	_ =	shalt  }
0x3e: {  	_ =	shalt  }
0x3f: {  	_ =	shalt  }
0x40: {  	_ =	shalt  }
0x41: {  	_ =	shalt  }
0x42: {  	_ =	shalt  }
0x43: {  	_ =	shalt  }
0x44: {  	_ =	shalt  }
0x45: {  	_ =	shalt  }
0x46: {  	_ =	shalt  }
0x47: {  	_ =	shalt  }
0x48: {  	_ =	shalt  }
0x49: {  	_ =	shalt  }
0x4a: {  	_ =	shalt  }
0x4b: {  	_ =	shalt  }
0x4c: {  	_ =	shalt  }
0x4d: {  	_ =	shalt  }
0x4e: {  	_ =	shalt  }
0x4f: {  	_ =	shalt  }
0x50: {  	_ =	shalt  }
0x51: {  	_ =	shalt  }
0x52: {  	_ =	shalt  }
0x53: {  	_ =	shalt  }
0x54: {  	_ =	shalt  }
0x55: {  	_ =	shalt  }
0x56: {  	_ =	shalt  }
0x57: {  	_ =	shalt  }
0x58: {  	_ =	shalt  }
0x59: {  	_ =	shalt  }
0x5a: {  	_ =	shalt  }
0x5b: {  	_ =	shalt  }
0x5c: {  	_ =	shalt  }
0x5d: {  	_ =	shalt  }
0x5e: {  	_ =	shalt  }
0x5f: {  	_ =	shalt  }
0x60: {  	_ =	shalt  }
0x61: {  	_ =	shalt  }
0x62: {  	_ =	shalt  }
0x63: {  	_ =	shalt  }
0x64: {  	_ =	shalt  }
0x65: {  	_ =	shalt  }
0x66: {  	_ =	shalt  }
0x67: {  	_ =	shalt  }
0x68: {  	_ =	shalt  }
0x69: {  	_ =	shalt  }
0x6a: {  	_ =	shalt  }
0x6b: {  	_ =	shalt  }
0x6c: {  	_ =	shalt  }
0x6d: {  	_ =	shalt  }
0x6e: {  	_ =	shalt  }
0x6f: {  	_ =	shalt  }
0x70: {  	_ =	shalt  }
0x71: {  	_ =	shalt  }
0x72: {  	_ =	shalt  }
0x73: {  	_ =	shalt  }
0x74: {  	_ =	shalt  }
0x75: {  	_ =	shalt  }
0x76: {  	_ =	shalt  }
0x77: {  	_ =	shalt  }
0x78: {  	_ =	shalt  }
0x79: {  	_ =	shalt  }
0x7a: {  	_ =	shalt  }
0x7b: {  	_ =	shalt  }
0x7c: {  	_ =	shalt  }
0x7d: {  	_ =	shalt  }
0x7e: {  	_ =	shalt  }
0x7f: {  	_ =	shalt  }
0x80: {  	_ =	shalt  }
0x81: {  	_ =	shalt  }
0x82: {  	_ =	shalt  }
0x83: {  	_ =	shalt  }
0x84: {  	_ =	shalt  }
0x85: {  	_ =	shalt  }
0x86: {  	_ =	shalt  }
0x87: {  	_ =	shalt  }
.Lfunc_end0:
.L_simem_size_0:
called_computation.1_lowered:
.L_overlay_start_0:
0x88: {  	s2 =	sld [smem:$0x3FD9]  }
0x89: {  	s3 =	sld [smem:$0x3FFE];
	_ =	sdelay $0x1  }
0x8a: {  	s1 =	srdreg.scid  }
0x8b: {  	s0 =	sand.u32 $0x1, s1  }
0x8c: {  	s17 =	sshll.u32 s0, $0xA;
	s2 =	sadd.s32 s3, s2  }
0x8d: {  	s2 =	sadd.s32 s2, s17  }
0x8e: {  	[smem:$0x3FC2] =	sst s2  }
0x8f: {  	_ = 	snop  }
0x90: {  	s2 =	sld [smem:$0x3FD0];
	(tm) =	ssettm $0x1  }
0x91: {  	s18 =	sld [smem:$0x3FFB];
	_ =	sdelay $0x3  }
0x92: {  	_ =	strace s18  }
0x93: {  	s3 =	sld [smem:$0x3FFC];
	_ =	sdelay $0x3  }
0x94: {  	_ =	strace s3  }
0x95: {  	s3 =	sld [smem:$0x3FFD];
	_ =	sdelay $0x3  }
0x96: {  	_ =	strace s3  }
0x97: {  	_ =	strace $0x8FFFFFFF  }
0x98: {  	s19 =	sld [smem:$0x3FDB];
	_ =	sdelay $0x1  }
0x99: {  	s4 =	simm.s32 $_scs_section_size  }
0x9a: {  	s5 =	simm.s32 $_size__tile_overlayer_lowered;
	s6 =	simm.s32 $_tile_overlayer_lowered  }
0x9b: {  	s22 =	simm.s32 $0x1BFF;
	s21 =	sshll.u32 s6, $0x1;
	s3 =	sadd.s32 s4, s19  }
0x9c: {  	s7 =	simm.s32 $0x0;
	s20 =	sshll.u32 s5, $0x1;
	s5 =	sadd.s32 s21, s3  }
0x9d: {  	[timem:s7], [sflag:s22] =	dma.local [hbm:s5], s20  }
0x9e: {  	_ =	swait.ge [sflag:s22], s20  }
0x9f: {  	s4 =	ssub.s32 $0x0, s20;
	[sflag:s22] =	ssyncset.done $0x0  }
0xa0: {  	[sflag:s22] =	ssyncadd.s32 s4;
	_ =	sdelay $0x1  }
0xa1: {  	s23 =	simm.s32 $0x1B8B  }
0xa2: {  	_ =	swait.ge [sflag:s23], $0x1  }
0xa3: {  	[sflag:s23] =	ssyncset.done $0x0  }
0xa4: {  	s25 =	simm.s32 $0x1B8E;
	s24 =	sld [smem:$0x3FFE];
	[sflag:s23] =	ssyncadd.s32 $0xFFFFFFFF  }
0xa5: {  	s26 =	simm.s32 $execute0_lowered;
	[smem:$0x3FD2] =	sst s25  }
0xa6: {  	s5 =	sshll.u32 s26, $0x1;
	_ =	strace $0x80000049;
	[dreg:$0x1] =	wrdreg $0xFFFFFFFF  }
0xa7: {  	s28 =	simm.s32 $_size_execute0_lowered;
	s3 =	sadd.s32 s3, s5;
	[dreg:$0x0] =	wrdreg $0x0  }
0xa8: {  	s5 =	sshll.u32 s28, $0x1;
	[dreg:$0x2] =	wrdreg s3  }
0xa9: {  	[dreg:$0x3] =	wrdreg s5  }
0xaa: {  	[dreg:$0x4] =	wrdreg $0xC0  }
0xab: {  	_ =	task [dreg:s7], $0x5FFFF  }
0xac: {  	[dreg:$0x1] =	wrdreg $0xFFFFFFFF  }
0xad: {  	[dreg:$0x0] =	wrdreg $0x60  }
0xae: {  	[dreg:$0x2] =	wrdreg s24  }
0xaf: {  	[dreg:$0x3] =	wrdreg s2  }
0xb0: {  	[dreg:$0x4] =	wrdreg $0x9  }
0xb1: {  	_ =	task.clear_ibuf [dreg:s7], $0x5FFFF;
	_ =	strace $0x90000049  }
0xb2: {  	s29 =	simm.s32 $0x9;
	_ =	strace $0x8000004B  }
0xb3: {  	_ =	swait.ge [sflag:s29], $0x1  }
0xb4: {  	[sflag:s29] =	ssyncadd.s32 $0xFFFFFFFF  }
0xb5: {  	_ =	strace $0x9000004B  }
0xb6: {  	_ =	sfence  }
0xb7: {  	s30 =	sld [smem:$0x0];
	_ =	sdelay $0x2  }
0xb8: {  	s31 =	sshll.u32 s1, $0xD;
	s1 =	sshrl.u32 s1, $0x2  }
0xb9: {  	s3 =	sand.u32 $0x4000, s31;
	s1 =	sadd.s32 s1, s30  }
0xba: {  	s0 =	sor.u32 s3, s0;
	s1 =	sshll.u32 s1, $0x11  }
0xbb: {  	s0 =	sor.u32 s1, s0  }
0xbc: {  	s0 =	sadd.s32 $0x8F2B, s0  }
0xbd: {  	[sflag:s0] =	ssyncadd.remote.s32 $0x1  }
0xbe: {  	_ =	sfence.sel $0xFFFF  }
0xbf: {  	[dreg:$0x0] =	wrdreg $0xFFFFFFFF;
	(pc) =	sbr.abs _section_cstart, $3  }
0xc0: {  	[dreg:$0x1] =	wrdreg $0xFFFFFFFF  }
0xc1: {  	_ =	task.clear_ibuf [dreg:s7], $0x2FFFF;
	_ =	strace $0x9FFFFFFF  }
0xc2: {  	(tm) =	ssettm $0x7FFFFFFF  }
0xc3: {  	_ =	shalt  }
tec
execute0_lowered:
.L_overlay_start_1:
0x0: {  	(tag) =	ssettag $0x1  }
0x1: {  	s2 =	rddreg [dreg:$0x0]  }
0x2: {  	s0 =	rddreg [dreg:$0x1]  }
0x3: {  	s3 =	srdreg.scid;
	s1 =	stileid.u32;
	s8 =	simm.s32 $0x80  }
0x4: {  	s26 =	simm.s32 $0x880;
	s9 =	simm.s32 $0x1080;
	s10 =	simm.s32 $0x1880  }
0x5: {  	s11 =	simm.s32 $0x2080;
	s12 =	simm.s32 $0x2880;
	s13 =	simm.s32 $0x3080  }
0x6: {  	s14 =	simm.s32 $0x3880;
	s15 =	simm.s32 $0x4080;
	s16 =	simm.s32 $0x4880  }
0x7: {  	s17 =	simm.s32 $0x5080;
	s18 =	simm.s32 $0x5880;
	s19 =	simm.s32 $0x6080  }
0x8: {  	s20 =	simm.s32 $0x6880;
	s21 =	simm.s32 $0x7080;
	s22 =	simm.s32 $0x7880  }
0x9: {  	s23 =	simm.s32 $0x8080;
	s24 =	simm.s32 $0x8880;
	s28 =	simm.s32 $0xA080  }
0xa: {  	s29 =	simm.s32 $0xA880;
	s30 =	simm.s32 $0xB080;
	s31 =	simm.s32 $0xB880  }
0xb: {  	s4 =	sand.u32 $0x1, s3;
	s3 =	simm.s32 $0x0;
	s5 =	sshll.u32 s1, $0x4  }
0xc: {  	s6 =	sshll.u32 s4, $0x3;
	[smem:$0x7FF] =	sst s3;
	s4 =	ssub.s32 $0x2, s4  }
0xd: {  	s5 =	sor.u32 s6, s5;
	s7 =	sshrl.u32 s4, $0x1;
	_ =	strace $0x8000004A  }
0xe: {  	[dreg:$0x5] =	wrdreg s26;
	s26 =	simm.s32 $0x9880;
	s6 =	sadd.s32 s5, s2  }
0xf: {  	s5 =	smul.u32 $0x300, s5;
	s7 =	ssub.s32 s4, s7;
	s4 =	sadd.s32 $0x100, s2  }
0x10: {  	v2 =	vlaneseq.u32;
	s25 =	sadd.s32 $0x38000, s6;
	s6 =	smax.u32 s7, $0x1;
	s7 =	simm.s32 $0x2  }
0x11: {  	vm0 =	vmmov $0xffff;
	v1 =	vshrl.u32 v2, $0x3;
	[dreg:$0x3] =	wrdreg s25;
	s0 =	sadd.s32 s0, s5;
	s5 =	sadd.s32 $0x200, s2  }
0x12: {  	v0 =	vand.u32 $0x7, v2;
	v2 =	vor.u32 $0x8, v2;
	v1 =	vmul.u32 $0x8, v1;
	s25 =	simm.s32 $0x9080;
	[dreg:$0x4] =	wrdreg s0;
	s0 =	simm.s32 $0x1  }
.LBB2_1:
0x13: {  	s1 =	rddreg [dreg:$0x3]  }
0x14: {  	[tilespmem:s3], [sflag:$0x2] =	stream.linear.gather [hbm4b:s1+s3], $0x40, $0x38;
	[tilespmem:$0xC080] =	vst v63  }
0x15: {  	_ =	swait.ge [sflag:s7], $0x40  }
0x16: {  	[sflag:s7] =	ssyncset.done $0x0  }
0x17: {  	[sflag:s7] =	ssyncadd.s32 $0xFFFFFFC0  }
0x18: {  	v3 =	vld [tilespmem:$0x0];
	_ =	sdelay $0x4  }
0x19: {  	v4 =	vshrl.u32 v3, $0x3  }
0x1a: {  	v4 =	vmul.u32 $0x30, v4  }
0x1b: {  	v3 =	vand.u32 $0x7, v3  }
0x1c: {  	v3 =	vor.u32 v3, v4  }
0x1d: {  	v4 =	vperm.xlane v3, v0;
	_ =	sdelay $0x1  }
0x1e: {  	v4 =	vadd.s32 v1, v4;
	_ =	sdelay $0x3  }
0x1f: {  	v3 =	vperm.xlane v3, v2  }
0x20: {  	[tilespmem:s8], [sflag:$0x1] =	stream.indirect_vreg.gather [hbm4b:s2+s3], $0x80, v4, vm0, $0xb8;
	[tilespmem:$0xC080] =	vst v63  }
0x21: {  	s1 =	rddreg [dreg:$0x5];
	v3 =	vadd.s32 v1, v3  }
0x22: {  	[tilespmem:s1], [sflag:$0x1] =	stream.indirect_vreg.gather [hbm4b:s4+s3], $0x80, v4, vm0, $0xb8;
	[tilespmem:$0xC080] =	vst v63  }
0x23: {  	_ = 	snop  }
0x24: {  	[tilespmem:s9], [sflag:$0x1] =	stream.indirect_vreg.gather [hbm4b:s5+s3], $0x80, v4, vm0, $0xb8;
	[tilespmem:$0xC080] =	vst v63  }
0x25: {  	_ = 	snop  }
0x26: {  	[tilespmem:s10], [sflag:$0x1] =	stream.indirect_vreg.gather [hbm4b:s2+s3], $0x80, v3, vm0, $0xb8;
	[tilespmem:$0xC080] =	vst v63  }
0x27: {  	_ = 	snop  }
0x28: {  	[tilespmem:s11], [sflag:$0x1] =	stream.indirect_vreg.gather [hbm4b:s4+s3], $0x80, v3, vm0, $0xb8;
	[tilespmem:$0xC080] =	vst v63  }
0x29: {  	_ = 	snop  }
0x2a: {  	[tilespmem:s12], [sflag:$0x1] =	stream.indirect_vreg.gather [hbm4b:s5+s3], $0x80, v3, vm0, $0xb8;
	[tilespmem:$0xC080] =	vst v63  }
0x2b: {  	v3 =	vld [tilespmem:$0x10];
	_ =	sdelay $0x4  }
0x2c: {  	v61 =	vshrl.u32 v3, $0x3  }
0x2d: {  	v4 =	vmul.u32 $0x30, v61  }
0x2e: {  	v3 =	vand.u32 $0x7, v3  }
0x2f: {  	v3 =	vor.u32 v3, v4  }
0x30: {  	v4 =	vperm.xlane v3, v0;
	_ =	sdelay $0x1  }
0x31: {  	v4 =	vadd.s32 v1, v4;
	_ =	sdelay $0x3  }
0x32: {  	v3 =	vperm.xlane v3, v2  }
0x33: {  	[tilespmem:s13], [sflag:$0x1] =	stream.indirect_vreg.gather [hbm4b:s2+s3], $0x80, v4, vm0, $0xb8;
	[tilespmem:$0xC080] =	vst v63  }
0x34: {  	v3 =	vadd.s32 v1, v3  }
0x35: {  	[tilespmem:s14], [sflag:$0x1] =	stream.indirect_vreg.gather [hbm4b:s4+s3], $0x80, v4, vm0, $0xb8;
	[tilespmem:$0xC080] =	vst v63  }
0x36: {  	_ = 	snop  }
0x37: {  	[tilespmem:s15], [sflag:$0x1] =	stream.indirect_vreg.gather [hbm4b:s5+s3], $0x80, v4, vm0, $0xb8;
	[tilespmem:$0xC080] =	vst v63  }
0x38: {  	_ = 	snop  }
0x39: {  	[tilespmem:s16], [sflag:$0x1] =	stream.indirect_vreg.gather [hbm4b:s2+s3], $0x80, v3, vm0, $0xb8;
	[tilespmem:$0xC080] =	vst v63  }
0x3a: {  	_ = 	snop  }
0x3b: {  	[tilespmem:s17], [sflag:$0x1] =	stream.indirect_vreg.gather [hbm4b:s4+s3], $0x80, v3, vm0, $0xb8;
	[tilespmem:$0xC080] =	vst v63  }
0x3c: {  	_ = 	snop  }
0x3d: {  	[tilespmem:s18], [sflag:$0x1] =	stream.indirect_vreg.gather [hbm4b:s5+s3], $0x80, v3, vm0, $0xb8;
	[tilespmem:$0xC080] =	vst v63  }
0x3e: {  	v3 =	vld [tilespmem:$0x20];
	_ =	sdelay $0x4  }
0x3f: {  	v62 =	vshrl.u32 v3, $0x3  }
0x40: {  	v4 =	vmul.u32 $0x30, v62  }
0x41: {  	v3 =	vand.u32 $0x7, v3  }
0x42: {  	v3 =	vor.u32 v3, v4  }
0x43: {  	v4 =	vperm.xlane v3, v0;
	_ =	sdelay $0x1  }
0x44: {  	v4 =	vadd.s32 v1, v4;
	_ =	sdelay $0x3  }
0x45: {  	v3 =	vperm.xlane v3, v2  }
0x46: {  	[tilespmem:s19], [sflag:$0x1] =	stream.indirect_vreg.gather [hbm4b:s2+s3], $0x80, v4, vm0, $0xb8;
	[tilespmem:$0xC080] =	vst v63  }
0x47: {  	v3 =	vadd.s32 v1, v3  }
0x48: {  	[tilespmem:s20], [sflag:$0x1] =	stream.indirect_vreg.gather [hbm4b:s4+s3], $0x80, v4, vm0, $0xb8;
	[tilespmem:$0xC080] =	vst v63  }
0x49: {  	_ = 	snop  }
0x4a: {  	[tilespmem:s21], [sflag:$0x1] =	stream.indirect_vreg.gather [hbm4b:s5+s3], $0x80, v4, vm0, $0xb8;
	[tilespmem:$0xC080] =	vst v63  }
0x4b: {  	_ = 	snop  }
0x4c: {  	[tilespmem:s22], [sflag:$0x1] =	stream.indirect_vreg.gather [hbm4b:s2+s3], $0x80, v3, vm0, $0xb8;
	[tilespmem:$0xC080] =	vst v63  }
0x4d: {  	_ = 	snop  }
0x4e: {  	[tilespmem:s23], [sflag:$0x1] =	stream.indirect_vreg.gather [hbm4b:s4+s3], $0x80, v3, vm0, $0xb8;
	[tilespmem:$0xC080] =	vst v63  }
0x4f: {  	_ = 	snop  }
0x50: {  	[tilespmem:s24], [sflag:$0x1] =	stream.indirect_vreg.gather [hbm4b:s5+s3], $0x80, v3, vm0, $0xb8;
	[tilespmem:$0xC080] =	vst v63  }
0x51: {  	v3 =	vld [tilespmem:$0x30];
	_ =	sdelay $0x4  }
0x52: {  	v63 =	vshrl.u32 v3, $0x3  }
0x53: {  	v4 =	vmul.u32 $0x30, v63  }
0x54: {  	v3 =	vand.u32 $0x7, v3  }
0x55: {  	v3 =	vor.u32 v3, v4  }
0x56: {  	v4 =	vperm.xlane v3, v0;
	_ =	sdelay $0x1  }
0x57: {  	v4 =	vadd.s32 v1, v4;
	_ =	sdelay $0x3  }
0x58: {  	v3 =	vperm.xlane v3, v2  }
0x59: {  	[tilespmem:s25], [sflag:$0x1] =	stream.indirect_vreg.gather [hbm4b:s2+s3], $0x80, v4, vm0, $0xb8;
	[tilespmem:$0xC080] =	vst v63  }
0x5a: {  	v3 =	vadd.s32 v1, v3  }
0x5b: {  	[tilespmem:s26], [sflag:$0x1] =	stream.indirect_vreg.gather [hbm4b:s4+s3], $0x80, v4, vm0, $0xb8;
	[tilespmem:$0xC080] =	vst v63  }
0x5c: {  	_ = 	snop  }
0x5d: {  	[tilespmem:s28], [sflag:$0x1] =	stream.indirect_vreg.gather [hbm4b:s5+s3], $0x80, v4, vm0, $0xb8;
	[tilespmem:$0xC080] =	vst v63  }
0x5e: {  	_ = 	snop  }
0x5f: {  	[tilespmem:s29], [sflag:$0x1] =	stream.indirect_vreg.gather [hbm4b:s2+s3], $0x80, v3, vm0, $0xb8;
	[tilespmem:$0xC080] =	vst v63  }
0x60: {  	_ = 	snop  }
0x61: {  	[tilespmem:s30], [sflag:$0x1] =	stream.indirect_vreg.gather [hbm4b:s4+s3], $0x80, v3, vm0, $0xb8;
	[tilespmem:$0xC080] =	vst v63  }
0x62: {  	_ = 	snop  }
0x63: {  	[tilespmem:s31], [sflag:$0x1] =	stream.indirect_vreg.gather [hbm4b:s5+s3], $0x80, v3, vm0, $0xb8;
	[tilespmem:$0xC080] =	vst v63  }
0x64: {  	_ =	swait.ge [sflag:s0], $0xC000  }
0x65: {  	p0 =	sne.s32 s6, $0x1;
	[sflag:s0] =	ssyncset.done $0x0  }
.Ltmp0:
0x66: {  	s1 =	rddreg [dreg:$0x4];
	[sflag:s0] =	ssyncadd.s32 $0xFFFF4000;
	(pc) =	sbr.rel @p0 .LBB2_1-.Ltmp0, $4  }
0x67: {  	[hbm4b:s1+s3] =	stream.linear.scatter [tilespmem:s8], [sflag:$0x2], $0xC000, $0x38;
	[tilespmem:$0xC080] =	vst v63  }
0x68: {  	_ =	swait.ge [sflag:s7], $0xC000  }
0x69: {  	[sflag:s7] =	ssyncset.done $0x0  }
0x6a: {  	s6 =	sadd.s32 $0xFFFFFFFF, s6;
	[sflag:s7] =	ssyncadd.s32 $0xFFFF4000  }
0x6b: {  	_ =	sfence.sel $0x180000  }
0x6c: {  	[bflag:$0x0] =	sbarrier.arrive $0xFFFF  }
0x6d: {  	_ =	strace $0x9000004A  }
0x6e: {  	s0 =	stileid.u32;
	[bflag:$0x2] =	sbarrier.arrive $0xFFFF  }
0x6f: {  	p0 =	sne.s32 s0, $0x0;
	s0 =	rddreg [dreg:$0x2]  }
0x70: {  	s0 =	sadd.s32 @!p0 $0x100000, s0  }
0x71: {  	[sflag:s0] =	ssyncadd.tile.s32 @!p0 $0x1;
	_ =	shalt  }
.Lfunc_end2:
_tile_overlayer_lowered:
.L_overlay_start_2:
0x72: {  	(tag) =	ssettag $0x2  }
0x73: {  	s0 =	rddreg [dreg:$0x0];
	s2 =	stileid.u32  }
0x74: {  	s1 =	rddreg [dreg:$0x1];
	p0 =	sne.s32 s2, $0x0  }
0x75: {  	s3 =	rddreg [dreg:$0x2];
	[bflag:$0x3] =	sbarrier.arrive $0xFFFF;
	s2 =	simm.s32 @!p0 $0x1C02  }
0x76: {  	[timem:s3], [sflag:s2] =	dma.local @!p0 [hbm:s0], s1  }
0x77: {  	s0 =	simm.s32 @!p0 $0x2  }
0x78: {  	_ =	swait.ge @!p0 [sflag:s0], s1  }
0x79: {  	s1 =	ssub.s32 @!p0 $0x0, s1;
	[sflag:s0] =	ssyncset.done @!p0 $0x0  }
0x7a: {  	[sflag:s0] =	ssyncadd.s32 @!p0 s1  }
0x7b: {  	[bflag:$0x3] =	sbarrier.arrive $0xFFFF  }
0x7c: {  	_ =	shalt  }

</sc_bundles>
